<compile_context>
chip_gen: v7x
topology: tpu7x:2x2x1
jax: 0.10.2.dev20260603
libtpu: 0.0.44.dev20260713+nightly
codegen_flags: <defaults>
</compile_context>

<pallas_src>
import functools

import numpy as np
import jax
import jax.numpy as jnp
from jax import lax
from jax.experimental import pallas as pl
from jax.experimental.pallas import tpu as pltpu
from jax.experimental.pallas import tpu_sc as plsc

B, S, C, D = 1024, 20, 16, 128
NT = 4
R = B * S
NC, NS = 2, 16
NW = NC * NS
ROWS_PER_TILE = R // NW
CHUNK = 8
GATHER = CHUNK * C
IDX_PER_TILE = ROWS_PER_TILE * C
BPAD = 8
ACC = NT * BPAD

V0 = 5000
NSLICE = 1
BM, BN = 2048, 512
NPAD = ((V0 + BN - 1) // BN) * BN


def _sc_gather_pool(i0, i1, i2, i3, pidx, t0, t1, t2, t3, rows_total):
    rows_per_tile = rows_total // NW
    nchunk = rows_per_tile // CHUNK
    idx_per_tile = rows_per_tile * C
    mesh = plsc.VectorSubcoreMesh(
        core_axis_name="c", subcore_axis_name="s",
        num_cores=NC, num_subcores=NS)

    @functools.partial(
        pl.kernel,
        out_type=jax.ShapeDtypeStruct((rows_total * NT, D), jnp.float32),
        mesh=mesh,
        scratch_types=[
            pltpu.VMEM((NT * idx_per_tile,), jnp.int32),
            pltpu.VMEM((2 * NT, GATHER), jnp.int32),
            pltpu.VMEM((NT, GATHER, D), jnp.float32),
            pltpu.VMEM_SHARED((NS * 2 * ACC, D), jnp.float32),
            pltpu.VMEM((ACC, D), jnp.float32),
            pltpu.SemaphoreType.DMA,
            pltpu.SemaphoreType.DMA,
            pltpu.SemaphoreType.DMA,
            pltpu.SemaphoreType.DMA,
            pltpu.SemaphoreType.DMA,
            pltpu.SemaphoreType.DMA,
            pltpu.SemaphoreType.DMA,
            pltpu.SemaphoreType.DMA,
        ],
        compiler_params=pltpu.CompilerParams(use_tc_tiling_on_sc=True),
    )
    def k(ih0, ih1, ih2, ih3, pidx_hbm, tb0, tb1, tb2, tb3, out_hbm,
          idx_v, pidx_v, rows_v, acc_v, z_v,
          sem_g0, sem_g1, sem_a0, sem_a1, sem_o0, sem_o1, sem_z0, sem_z1):
        sid = lax.axis_index("s")
        wid = sid * NC + lax.axis_index("c")
        base = wid * rows_per_tile
        abase = sid * 2 * ACC
        for t, ih in enumerate((ih0, ih1, ih2, ih3)):
            pltpu.sync_copy(ih.at[wid],
                            idx_v.at[pl.ds(t * idx_per_tile, idx_per_tile)])
        pltpu.sync_copy(pidx_hbm, pidx_v)

        @pl.loop(0, 2 * NT)
        def _(t):
            @pl.loop(0, GATHER, step=16)
            def _(g):
                pidx_v[t, pl.ds(g, 16)] = pidx_v[t, pl.ds(g, 16)] + abase

        @pl.loop(0, ACC)
        def _(r):
            @pl.loop(0, D, step=16)
            def _(c):
                z_v[r, pl.ds(c, 16)] = jnp.zeros((16,), jnp.float32)

        tables = (tb0, tb1, tb2, tb3)
        sem_a = (sem_a0, sem_a1)
        sem_o = (sem_o0, sem_o1)
        sem_z = (sem_z0, sem_z1)

        def gather_src(ch, t):
            return tables[t].at[
                idx_v.at[pl.ds(t * idx_per_tile + ch * GATHER, GATHER)]]

        def acc_band(slab, t):
            return acc_v.at[pl.ds(abase + slab * ACC + t * BPAD, CHUNK)]

        def out_rows(ch, t):
            return out_hbm.at[pl.ds(t * rows_total + base + ch * CHUNK,
                                    CHUNK)]

        def start_gathers(ch):
            for t in range(NT):
                pltpu.async_copy(gather_src(ch, t), rows_v.at[t], sem_g0)

        def wait_outs(ch, slab):
            for t in range(NT):
                pltpu.make_async_copy(acc_band(slab, t), out_rows(ch, t),
                                      sem_o[slab]).wait()

        def process(ch, slab, first):
            pltpu.async_copy(
                z_v, acc_v.at[pl.ds(abase + slab * ACC, ACC)],
                sem_z[slab]).wait()
            for t in range(NT):
                pltpu.make_async_copy(gather_src(ch, t), rows_v.at[t],
                                      sem_g0).wait()
            adds = []
            for t in range(NT):
                adds.append(pltpu.async_copy(
                    rows_v.at[t], acc_v.at[pidx_v.at[slab * NT + t]],
                    sem_a[slab], add=True))
            for a in adds:
                a.wait()
            @pl.when(ch + 1 < nchunk)
            def _():
                start_gathers(ch + 1)
            for t in range(NT):
                pltpu.sync_copy(acc_band(slab, t), out_rows(ch, t))

        start_gathers(0)

        @pl.loop(0, nchunk, step=2)
        def _(ch):
            process(ch, 0, ch == 0)
            process(ch + 1, 1, ch == 0)


    return k(i0, i1, i2, i3, pidx, t0, t1, t2, t3)


def _mlp_body(v_ref, w1_ref, b1_ref, w2_ref, b2_ref, o_ref, h_ref):
    n = pl.program_id(1)

    @pl.when(n == 0)
    def _():
        acc = jnp.zeros((BM, 2 * D), jnp.float32)
        for t in range(NT):
            acc += jnp.dot(v_ref[t].astype(jnp.bfloat16), w1_ref[t],
                           preferred_element_type=jnp.float32)
        h = jnp.maximum(acc + b1_ref[...], 0.0).astype(jnp.bfloat16)
        h_ref[...] = h.T

    for si in range(BM // B):
        o_ref[si] = (jnp.dot(w2_ref[...], h_ref[:, pl.ds(si * B, B)],
                             preferred_element_type=jnp.float32)
                     + b2_ref[...][:, None])


def _mlp(v, w1, b1, w2, b2, s_off, prev=None):
    s_count = S // NSLICE
    grid = (s_count * B // BM, NPAD // BN)
    mb = s_off // (BM // B)
    in_specs = [
        pl.BlockSpec((NT, BM, D), lambda m, n: (0, m, 0)),
        pl.BlockSpec((NT, D, 2 * D), lambda m, n: (0, 0, 0)),
        pl.BlockSpec((2 * D,), lambda m, n: (0,)),
        pl.BlockSpec((BN, 2 * D), lambda m, n: (n, 0)),
        pl.BlockSpec((BN,), lambda m, n: (n,)),
    ]
    args = [v, w1, b1, w2, b2]
    aliases = {}
    if prev is not None:
        in_specs.append(pl.BlockSpec(memory_space=pl.ANY))
        args.append(prev)
        aliases = {5: 0}

    def body(*refs):
        _mlp_body(*refs[:5], refs[-2], refs[-1])

    return pl.pallas_call(
        body,
        grid=grid,
        in_specs=in_specs,
        out_specs=pl.BlockSpec((BM // B, BN, B),
                               lambda m, n: (m + mb, n, 0)),
        out_shape=jax.ShapeDtypeStruct((S, V0, B), jnp.float32),
        scratch_shapes=[pltpu.VMEM((2 * D, BM), jnp.bfloat16)],
        input_output_aliases=aliases,
        compiler_params=pltpu.CompilerParams(
            dimension_semantics=("arbitrary", "arbitrary")),
    )(*args)


_PIDX = np.asarray(
    [[s * ACC + t * BPAD + g // C for g in range(GATHER)]
     for s in range(2) for t in range(NT)],
    dtype=np.int32)


def kernel(diag_seq, drug_seq, lab_seq, proc_seq, diag_table, drug_table,
           lab_table, proc_table, W1, b1, W2, b2):
    seqs_t = [a.astype(jnp.int32).transpose(1, 0, 2)
              for a in (diag_seq, drug_seq, lab_seq, proc_seq)]
    pidx = jnp.asarray(_PIDX)

    w1 = W1.reshape(NT, D, 2 * D).astype(jnp.bfloat16)
    w2t = jnp.pad(W2, ((0, 0), (0, NPAD - V0))).T.astype(jnp.bfloat16)
    b2p = jnp.pad(b2, (0, NPAD - V0))

    s_slice = S // NSLICE
    rows_slice = s_slice * B
    outs = []
    vs = [
        _sc_gather_pool(
            *[st[j * s_slice:(j + 1) * s_slice]
              .reshape(NW, rows_slice * C // NW) for st in seqs_t],
            pidx, diag_table, drug_table, lab_table, proc_table,
            rows_slice)
        for j in range(NSLICE)
    ]
    out = None
    for j in range(NSLICE):
        v = vs[j].reshape(NT, rows_slice, D)
        out = _mlp(v, w1, b1, w2t, b2p, j * s_slice, prev=out)
    return out.transpose(2, 0, 1)

# --- scband reference (transcript-rebuilt; emitter-appended) ---
"""Pipeline reference for scband-lstm-for-ae-72808285602426 (READ-ONLY COPY).

The authoritative reference and input builder live on the scoring server;
editing this copy changes nothing except your own understanding.
"""

import jax, jax.numpy as jnp
import numpy as np

B, S, C, D = 1024, 20, 16, 128
VOCABS = [5000, 20000, 20000, 20000]

def setup_inputs(seed: int = 0):
    key = jax.random.key(seed)
    ks = jax.random.split(key, 12)
    inp = {}
    inp["diag_seq"] = jax.random.randint(ks[0], (B, S, C), 0, VOCABS[0])
    inp["drug_seq"] = jax.random.randint(ks[1], (B, S, C), 0, VOCABS[1])
    inp["lab_seq"] = jax.random.randint(ks[2], (B, S, C), 0, VOCABS[2])
    inp["proc_seq"] = jax.random.randint(ks[3], (B, S, C), 0, VOCABS[3])
    inp["diag_table"] = jax.random.normal(ks[4], (VOCABS[0] + 1, D), dtype=jnp.float32) * 0.02
    inp["drug_table"] = jax.random.normal(ks[5], (VOCABS[1] + 1, D), dtype=jnp.float32) * 0.02
    inp["lab_table"] = jax.random.normal(ks[6], (VOCABS[2] + 1, D), dtype=jnp.float32) * 0.02
    inp["proc_table"] = jax.random.normal(ks[7], (VOCABS[3] + 1, D), dtype=jnp.float32) * 0.02
    inp["W1"] = jax.random.normal(ks[8], (4 * D, 2 * D), dtype=jnp.float32) * 0.02
    inp["b1"] = jnp.zeros((2 * D,), dtype=jnp.float32)
    inp["W2"] = jax.random.normal(ks[9], (2 * D, VOCABS[0]), dtype=jnp.float32) * 0.02
    inp["b2"] = jnp.zeros((VOCABS[0],), dtype=jnp.float32)
    return inp

def reference(diag_seq, drug_seq, lab_seq, proc_seq, diag_table, drug_table, lab_table, proc_table, W1, b1, W2, b2):
    # eval mode: dropout is identity
    diag_v = jnp.take(diag_table, diag_seq, axis=0).sum(axis=-2)  # [B, S, D]
    drug_v = jnp.take(drug_table, drug_seq, axis=0).sum(axis=-2)
    lab_v = jnp.take(lab_table, lab_seq, axis=0).sum(axis=-2)
    proc_v = jnp.take(proc_table, proc_seq, axis=0).sum(axis=-2)
    v = jnp.concatenate([diag_v, drug_v, lab_v, proc_v], axis=-1)  # [B, S, 4D]
    h = jax.nn.relu(jnp.dot(v, W1) + b1)
    # dropout(0.1) in MLP is identity in eval mode
    real_diag_logits = jnp.dot(h, W2) + b2  # [B, S, vocab0]
    return real_diag_logits

if __name__ == "__main__":
    import jax
    _d = setup_inputs()
    print(jax.jit(kernel)(*tuple(_d.values())))

</pallas_src>

<mosaic_0001>
#map = affine_map<(d0, d1) -> (0, 0)>
module attributes {stable_mosaic.version = 14 : i64} {
  func.func @k(%arg0: i32, %arg1: i32, %arg2: memref<32x10240xi32, #tpu.memory_space<hbm>>, %arg3: memref<32x10240xi32, #tpu.memory_space<hbm>>, %arg4: memref<32x10240xi32, #tpu.memory_space<hbm>>, %arg5: memref<32x10240xi32, #tpu.memory_space<hbm>>, %arg6: memref<8x128xi32, #tpu.memory_space<hbm>>, %arg7: memref<5001x128xf32, #tpu.memory_space<hbm>>, %arg8: memref<20001x128xf32, #tpu.memory_space<hbm>>, %arg9: memref<20001x128xf32, #tpu.memory_space<hbm>>, %arg10: memref<20001x128xf32, #tpu.memory_space<hbm>>, %arg11: memref<81920x128xf32, #tpu.memory_space<hbm>>, %arg12: memref<40960xi32, #tpu.memory_space<vmem>>, %arg13: memref<8x128xi32, #tpu.memory_space<vmem>>, %arg14: memref<4x128x128xf32, #tpu.memory_space<vmem>>, %arg15: memref<1024x128xf32, #tpu.memory_space<vmem_shared>>, %arg16: memref<32x128xf32, #tpu.memory_space<vmem>>, %arg17: memref<!tpu.dma_semaphore, #tpu.memory_space<semaphore_mem>>, %arg18: memref<!tpu.dma_semaphore, #tpu.memory_space<semaphore_mem>>, %arg19: memref<!tpu.dma_semaphore, #tpu.memory_space<semaphore_mem>>, %arg20: memref<!tpu.dma_semaphore, #tpu.memory_space<semaphore_mem>>, %arg21: memref<!tpu.dma_semaphore, #tpu.memory_space<semaphore_mem>>, %arg22: memref<!tpu.dma_semaphore, #tpu.memory_space<semaphore_mem>>, %arg23: memref<!tpu.dma_semaphore, #tpu.memory_space<semaphore_mem>>, %arg24: memref<!tpu.dma_semaphore, #tpu.memory_space<semaphore_mem>>) attributes {dimension_semantics = [#tpu.dimension_semantics<core_parallel>, #tpu.dimension_semantics<subcore_parallel>], iteration_bounds = array<i64: 2, 16>, scalar_prefetch = 0 : i64, scratch_operands = 13 : i64, tpu.core_type = #tpu.core_type<sc_vector_subcore>, window_params = [{transform_indices = #map}, {transform_indices = #map}, {transform_indices = #map}, {transform_indices = #map}, {transform_indices = #map}, {transform_indices = #map}, {transform_indices = #map}, {transform_indices = #map}, {transform_indices = #map}, {transform_indices = #map}]} {
    %mul3A = arith.constant 2 : i32
    %mul3A_0 = arith.muli %arg1, %mul3A : i32
    %add3A = arith.addi %mul3A_0, %arg0 : i32
    %mul3A_1 = arith.constant 640 : i32
    %mul3A_2 = arith.muli %add3A, %mul3A_1 : i32
    %mul3A_3 = arith.constant 2 : i32
    %mul3A_4 = arith.muli %arg1, %mul3A_3 : i32
    %mul3A_5 = arith.constant 32 : i32
    %mul3A_6 = arith.muli %mul3A_4, %mul3A_5 : i32
    "tpu.region"() ({
      %run_scoped3A = tpu.sem_alloc : memref<!tpu.dma_semaphore, #tpu.memory_space<semaphore_mem>>
      %dma_start3A_60 = arith.constant 0 : i32
      %dma_start3A_61 = tpu.memref_slice %arg12[%dma_start3A_60] : memref<40960xi32, #tpu.memory_space<vmem>> -> memref<10240xi32, #tpu.memory_space<vmem>>
      %dma_start3A_62 = arith.constant 0 : i32
      %dma_start3A_63 = tpu.memref_slice %arg2[%add3A, %dma_start3A_62] : memref<32x10240xi32, #tpu.memory_space<hbm>> -> memref<1x10240xi32, #tpu.memory_space<hbm>>
      %dma_start3A_64 = tpu.memref_squeeze %dma_start3A_63 : memref<1x10240xi32, #tpu.memory_space<hbm>> -> memref<10240xi32, #tpu.memory_space<hbm>>
      %dma_start3A_65 = arith.constant 0 : i32
      %dma_start3A_66 = tpu.memref_slice %arg12[%dma_start3A_65] : memref<40960xi32, #tpu.memory_space<vmem>> -> memref<10240xi32, #tpu.memory_space<vmem>>
      %dma_start3A_67 = arith.constant 0 : i32
      %dma_start3A_68 = tpu.memref_slice %arg2[%add3A, %dma_start3A_67] : memref<32x10240xi32, #tpu.memory_space<hbm>> -> memref<1x10240xi32, #tpu.memory_space<hbm>>
      %dma_start3A_69 = tpu.memref_squeeze %dma_start3A_68 : memref<1x10240xi32, #tpu.memory_space<hbm>> -> memref<10240xi32, #tpu.memory_space<hbm>>
      tpu.enqueue_dma source(%dma_start3A_69 : memref<10240xi32, #tpu.memory_space<hbm>>) target(%dma_start3A_66 : memref<10240xi32, #tpu.memory_space<vmem>>) target_semaphore(%run_scoped3A : memref<!tpu.dma_semaphore, #tpu.memory_space<semaphore_mem>>)
      %dma_wait3A = arith.constant 0 : i32
      %dma_wait3A_70 = tpu.memref_slice %arg12[%dma_wait3A] : memref<40960xi32, #tpu.memory_space<vmem>> -> memref<10240xi32, #tpu.memory_space<vmem>>
      %dma_wait3A_71 = arith.constant 0 : i32
      %dma_wait3A_72 = tpu.memref_slice %arg2[%add3A, %dma_wait3A_71] : memref<32x10240xi32, #tpu.memory_space<hbm>> -> memref<1x10240xi32, #tpu.memory_space<hbm>>
      %dma_wait3A_73 = tpu.memref_squeeze %dma_wait3A_72 : memref<1x10240xi32, #tpu.memory_space<hbm>> -> memref<10240xi32, #tpu.memory_space<hbm>>
      %dma_wait3A_74 = arith.constant 0 : i32
      %dma_wait3A_75 = tpu.memref_slice %arg12[%dma_wait3A_74] : memref<40960xi32, #tpu.memory_space<vmem>> -> memref<10240xi32, #tpu.memory_space<vmem>>
      %dma_wait3A_76 = arith.constant 0 : i32
      %dma_wait3A_77 = tpu.memref_slice %arg2[%add3A, %dma_wait3A_76] : memref<32x10240xi32, #tpu.memory_space<hbm>> -> memref<1x10240xi32, #tpu.memory_space<hbm>>
      %dma_wait3A_78 = tpu.memref_squeeze %dma_wait3A_77 : memref<1x10240xi32, #tpu.memory_space<hbm>> -> memref<10240xi32, #tpu.memory_space<hbm>>
      tpu.wait_dma2 semaphore(%run_scoped3A : memref<!tpu.dma_semaphore, #tpu.memory_space<semaphore_mem>>) src(%dma_wait3A_78 : memref<10240xi32, #tpu.memory_space<hbm>>) dst(%dma_wait3A_75 : memref<10240xi32, #tpu.memory_space<vmem>>)
      tpu.yield
    }) : () -> ()
    "tpu.region"() ({
      %run_scoped3A = tpu.sem_alloc : memref<!tpu.dma_semaphore, #tpu.memory_space<semaphore_mem>>
      %dma_start3A_60 = arith.constant 10240 : i32
      %dma_start3A_61 = tpu.memref_slice %arg12[%dma_start3A_60] : memref<40960xi32, #tpu.memory_space<vmem>> -> memref<10240xi32, #tpu.memory_space<vmem>>
      %dma_start3A_62 = arith.constant 0 : i32
      %dma_start3A_63 = tpu.memref_slice %arg3[%add3A, %dma_start3A_62] : memref<32x10240xi32, #tpu.memory_space<hbm>> -> memref<1x10240xi32, #tpu.memory_space<hbm>>
      %dma_start3A_64 = tpu.memref_squeeze %dma_start3A_63 : memref<1x10240xi32, #tpu.memory_space<hbm>> -> memref<10240xi32, #tpu.memory_space<hbm>>
      %dma_start3A_65 = arith.constant 10240 : i32
      %dma_start3A_66 = tpu.memref_slice %arg12[%dma_start3A_65] : memref<40960xi32, #tpu.memory_space<vmem>> -> memref<10240xi32, #tpu.memory_space<vmem>>
      %dma_start3A_67 = arith.constant 0 : i32
      %dma_start3A_68 = tpu.memref_slice %arg3[%add3A, %dma_start3A_67] : memref<32x10240xi32, #tpu.memory_space<hbm>> -> memref<1x10240xi32, #tpu.memory_space<hbm>>
      %dma_start3A_69 = tpu.memref_squeeze %dma_start3A_68 : memref<1x10240xi32, #tpu.memory_space<hbm>> -> memref<10240xi32, #tpu.memory_space<hbm>>
      tpu.enqueue_dma source(%dma_start3A_69 : memref<10240xi32, #tpu.memory_space<hbm>>) target(%dma_start3A_66 : memref<10240xi32, #tpu.memory_space<vmem>>) target_semaphore(%run_scoped3A : memref<!tpu.dma_semaphore, #tpu.memory_space<semaphore_mem>>)
      %dma_wait3A = arith.constant 10240 : i32
      %dma_wait3A_70 = tpu.memref_slice %arg12[%dma_wait3A] : memref<40960xi32, #tpu.memory_space<vmem>> -> memref<10240xi32, #tpu.memory_space<vmem>>
      %dma_wait3A_71 = arith.constant 0 : i32
      %dma_wait3A_72 = tpu.memref_slice %arg3[%add3A, %dma_wait3A_71] : memref<32x10240xi32, #tpu.memory_space<hbm>> -> memref<1x10240xi32, #tpu.memory_space<hbm>>
      %dma_wait3A_73 = tpu.memref_squeeze %dma_wait3A_72 : memref<1x10240xi32, #tpu.memory_space<hbm>> -> memref<10240xi32, #tpu.memory_space<hbm>>
      %dma_wait3A_74 = arith.constant 10240 : i32
      %dma_wait3A_75 = tpu.memref_slice %arg12[%dma_wait3A_74] : memref<40960xi32, #tpu.memory_space<vmem>> -> memref<10240xi32, #tpu.memory_space<vmem>>
      %dma_wait3A_76 = arith.constant 0 : i32
      %dma_wait3A_77 = tpu.memref_slice %arg3[%add3A, %dma_wait3A_76] : memref<32x10240xi32, #tpu.memory_space<hbm>> -> memref<1x10240xi32, #tpu.memory_space<hbm>>
      %dma_wait3A_78 = tpu.memref_squeeze %dma_wait3A_77 : memref<1x10240xi32, #tpu.memory_space<hbm>> -> memref<10240xi32, #tpu.memory_space<hbm>>
      tpu.wait_dma2 semaphore(%run_scoped3A : memref<!tpu.dma_semaphore, #tpu.memory_space<semaphore_mem>>) src(%dma_wait3A_78 : memref<10240xi32, #tpu.memory_space<hbm>>) dst(%dma_wait3A_75 : memref<10240xi32, #tpu.memory_space<vmem>>)
      tpu.yield
    }) : () -> ()
    "tpu.region"() ({
      %run_scoped3A = tpu.sem_alloc : memref<!tpu.dma_semaphore, #tpu.memory_space<semaphore_mem>>
      %dma_start3A_60 = arith.constant 20480 : i32
      %dma_start3A_61 = tpu.memref_slice %arg12[%dma_start3A_60] : memref<40960xi32, #tpu.memory_space<vmem>> -> memref<10240xi32, #tpu.memory_space<vmem>>
      %dma_start3A_62 = arith.constant 0 : i32
      %dma_start3A_63 = tpu.memref_slice %arg4[%add3A, %dma_start3A_62] : memref<32x10240xi32, #tpu.memory_space<hbm>> -> memref<1x10240xi32, #tpu.memory_space<hbm>>
      %dma_start3A_64 = tpu.memref_squeeze %dma_start3A_63 : memref<1x10240xi32, #tpu.memory_space<hbm>> -> memref<10240xi32, #tpu.memory_space<hbm>>
      %dma_start3A_65 = arith.constant 20480 : i32
      %dma_start3A_66 = tpu.memref_slice %arg12[%dma_start3A_65] : memref<40960xi32, #tpu.memory_space<vmem>> -> memref<10240xi32, #tpu.memory_space<vmem>>
      %dma_start3A_67 = arith.constant 0 : i32
      %dma_start3A_68 = tpu.memref_slice %arg4[%add3A, %dma_start3A_67] : memref<32x10240xi32, #tpu.memory_space<hbm>> -> memref<1x10240xi32, #tpu.memory_space<hbm>>
      %dma_start3A_69 = tpu.memref_squeeze %dma_start3A_68 : memref<1x10240xi32, #tpu.memory_space<hbm>> -> memref<10240xi32, #tpu.memory_space<hbm>>
      tpu.enqueue_dma source(%dma_start3A_69 : memref<10240xi32, #tpu.memory_space<hbm>>) target(%dma_start3A_66 : memref<10240xi32, #tpu.memory_space<vmem>>) target_semaphore(%run_scoped3A : memref<!tpu.dma_semaphore, #tpu.memory_space<semaphore_mem>>)
      %dma_wait3A = arith.constant 20480 : i32
      %dma_wait3A_70 = tpu.memref_slice %arg12[%dma_wait3A] : memref<40960xi32, #tpu.memory_space<vmem>> -> memref<10240xi32, #tpu.memory_space<vmem>>
      %dma_wait3A_71 = arith.constant 0 : i32
      %dma_wait3A_72 = tpu.memref_slice %arg4[%add3A, %dma_wait3A_71] : memref<32x10240xi32, #tpu.memory_space<hbm>> -> memref<1x10240xi32, #tpu.memory_space<hbm>>
      %dma_wait3A_73 = tpu.memref_squeeze %dma_wait3A_72 : memref<1x10240xi32, #tpu.memory_space<hbm>> -> memref<10240xi32, #tpu.memory_space<hbm>>
      %dma_wait3A_74 = arith.constant 20480 : i32
      %dma_wait3A_75 = tpu.memref_slice %arg12[%dma_wait3A_74] : memref<40960xi32, #tpu.memory_space<vmem>> -> memref<10240xi32, #tpu.memory_space<vmem>>
      %dma_wait3A_76 = arith.constant 0 : i32
      %dma_wait3A_77 = tpu.memref_slice %arg4[%add3A, %dma_wait3A_76] : memref<32x10240xi32, #tpu.memory_space<hbm>> -> memref<1x10240xi32, #tpu.memory_space<hbm>>
      %dma_wait3A_78 = tpu.memref_squeeze %dma_wait3A_77 : memref<1x10240xi32, #tpu.memory_space<hbm>> -> memref<10240xi32, #tpu.memory_space<hbm>>
      tpu.wait_dma2 semaphore(%run_scoped3A : memref<!tpu.dma_semaphore, #tpu.memory_space<semaphore_mem>>) src(%dma_wait3A_78 : memref<10240xi32, #tpu.memory_space<hbm>>) dst(%dma_wait3A_75 : memref<10240xi32, #tpu.memory_space<vmem>>)
      tpu.yield
    }) : () -> ()
    "tpu.region"() ({
      %run_scoped3A = tpu.sem_alloc : memref<!tpu.dma_semaphore, #tpu.memory_space<semaphore_mem>>
      %dma_start3A_60 = arith.constant 30720 : i32
      %dma_start3A_61 = tpu.memref_slice %arg12[%dma_start3A_60] : memref<40960xi32, #tpu.memory_space<vmem>> -> memref<10240xi32, #tpu.memory_space<vmem>>
      %dma_start3A_62 = arith.constant 0 : i32
      %dma_start3A_63 = tpu.memref_slice %arg5[%add3A, %dma_start3A_62] : memref<32x10240xi32, #tpu.memory_space<hbm>> -> memref<1x10240xi32, #tpu.memory_space<hbm>>
      %dma_start3A_64 = tpu.memref_squeeze %dma_start3A_63 : memref<1x10240xi32, #tpu.memory_space<hbm>> -> memref<10240xi32, #tpu.memory_space<hbm>>
      %dma_start3A_65 = arith.constant 30720 : i32
      %dma_start3A_66 = tpu.memref_slice %arg12[%dma_start3A_65] : memref<40960xi32, #tpu.memory_space<vmem>> -> memref<10240xi32, #tpu.memory_space<vmem>>
      %dma_start3A_67 = arith.constant 0 : i32
      %dma_start3A_68 = tpu.memref_slice %arg5[%add3A, %dma_start3A_67] : memref<32x10240xi32, #tpu.memory_space<hbm>> -> memref<1x10240xi32, #tpu.memory_space<hbm>>
      %dma_start3A_69 = tpu.memref_squeeze %dma_start3A_68 : memref<1x10240xi32, #tpu.memory_space<hbm>> -> memref<10240xi32, #tpu.memory_space<hbm>>
      tpu.enqueue_dma source(%dma_start3A_69 : memref<10240xi32, #tpu.memory_space<hbm>>) target(%dma_start3A_66 : memref<10240xi32, #tpu.memory_space<vmem>>) target_semaphore(%run_scoped3A : memref<!tpu.dma_semaphore, #tpu.memory_space<semaphore_mem>>)
      %dma_wait3A = arith.constant 30720 : i32
      %dma_wait3A_70 = tpu.memref_slice %arg12[%dma_wait3A] : memref<40960xi32, #tpu.memory_space<vmem>> -> memref<10240xi32, #tpu.memory_space<vmem>>
      %dma_wait3A_71 = arith.constant 0 : i32
      %dma_wait3A_72 = tpu.memref_slice %arg5[%add3A, %dma_wait3A_71] : memref<32x10240xi32, #tpu.memory_space<hbm>> -> memref<1x10240xi32, #tpu.memory_space<hbm>>
      %dma_wait3A_73 = tpu.memref_squeeze %dma_wait3A_72 : memref<1x10240xi32, #tpu.memory_space<hbm>> -> memref<10240xi32, #tpu.memory_space<hbm>>
      %dma_wait3A_74 = arith.constant 30720 : i32
      %dma_wait3A_75 = tpu.memref_slice %arg12[%dma_wait3A_74] : memref<40960xi32, #tpu.memory_space<vmem>> -> memref<10240xi32, #tpu.memory_space<vmem>>
      %dma_wait3A_76 = arith.constant 0 : i32
      %dma_wait3A_77 = tpu.memref_slice %arg5[%add3A, %dma_wait3A_76] : memref<32x10240xi32, #tpu.memory_space<hbm>> -> memref<1x10240xi32, #tpu.memory_space<hbm>>
      %dma_wait3A_78 = tpu.memref_squeeze %dma_wait3A_77 : memref<1x10240xi32, #tpu.memory_space<hbm>> -> memref<10240xi32, #tpu.memory_space<hbm>>
      tpu.wait_dma2 semaphore(%run_scoped3A : memref<!tpu.dma_semaphore, #tpu.memory_space<semaphore_mem>>) src(%dma_wait3A_78 : memref<10240xi32, #tpu.memory_space<hbm>>) dst(%dma_wait3A_75 : memref<10240xi32, #tpu.memory_space<vmem>>)
      tpu.yield
    }) : () -> ()
    "tpu.region"() ({
      %run_scoped3A = tpu.sem_alloc : memref<!tpu.dma_semaphore, #tpu.memory_space<semaphore_mem>>
      tpu.enqueue_dma source(%arg6 : memref<8x128xi32, #tpu.memory_space<hbm>>) target(%arg13 : memref<8x128xi32, #tpu.memory_space<vmem>>) target_semaphore(%run_scoped3A : memref<!tpu.dma_semaphore, #tpu.memory_space<semaphore_mem>>)
      tpu.wait_dma2 semaphore(%run_scoped3A : memref<!tpu.dma_semaphore, #tpu.memory_space<semaphore_mem>>) src(%arg6 : memref<8x128xi32, #tpu.memory_space<hbm>>) dst(%arg13 : memref<8x128xi32, #tpu.memory_space<vmem>>)
      tpu.yield
    }) : () -> ()
    %scan3A = arith.constant 0 : i32
    %scan3A_7 = arith.constant 8 : i32
    %scan3A_8 = arith.addi %scan3A, %scan3A_7 : i32
    %scan3A_9 = arith.constant 1 : i32
    scf.for %scan3A_60 = %scan3A to %scan3A_8 step %scan3A_9  : i32 {
      %mul3A_61 = arith.constant 1 : i32
      %mul3A_62 = arith.muli %scan3A_60, %mul3A_61 : i32
      %add3A_63 = arith.constant 0 : i32
      %add3A_64 = arith.addi %add3A_63, %mul3A_62 : i32
      %scan3A_65 = arith.constant 0 : i32
      %scan3A_66 = arith.constant 8 : i32
      %scan3A_67 = arith.addi %scan3A_65, %scan3A_66 : i32
      %scan3A_68 = arith.constant 1 : i32
      scf.for %scan3A_70 = %scan3A_65 to %scan3A_67 step %scan3A_68  : i32 {
        %mul3A_71 = arith.constant 16 : i32
        %mul3A_72 = arith.muli %scan3A_70, %mul3A_71 : i32
        %add3A_73 = arith.constant 0 : i32
        %add3A_74 = arith.addi %add3A_73, %mul3A_72 : i32
        %get3A = arith.index_cast %add3A_64 : i32 to index
        %get3A_75 = arith.index_cast %add3A_74 : i32 to index
        %get3A_76 = tpu.vector_load %arg13[%get3A, %get3A_75] {strides = array<i32>} : memref<8x128xi32, #tpu.memory_space<vmem>>, vector<1x16xi32>,
        %get3A_77 = vector.shape_cast %get3A_76 : vector<1x16xi32> to vector<16xi32>
        %add3A_78 = vector.broadcast %mul3A_6 : i32 to vector<16xi32>
        %add3A_79 = arith.addi %get3A_77, %add3A_78 : vector<16xi32>
        %swap3A = arith.index_cast %add3A_64 : i32 to index
        %swap3A_80 = arith.index_cast %add3A_74 : i32 to index
        %swap3A_81 = tpu.vector_load %arg13[%swap3A, %swap3A_80] {strides = array<i32>} : memref<8x128xi32, #tpu.memory_space<vmem>>, vector<1x16xi32>,
        %swap3A_82 = vector.shape_cast %swap3A_81 : vector<1x16xi32> to vector<16xi32>
        %swap3A_83 = vector.shape_cast %add3A_79 : vector<16xi32> to vector<1x16xi32>
        tpu.vector_store %arg13[%swap3A, %swap3A_80], %swap3A_83 {strides = array<i32>} : memref<8x128xi32, #tpu.memory_space<vmem>>, vector<1x16xi32>,
      }
      %scan3A_69 = arith.constant 8 : i32
    }
    %scan3A_10 = arith.constant 8 : i32
    %scan3A_11 = arith.constant 0 : i32
    %scan3A_12 = arith.constant 32 : i32
    %scan3A_13 = arith.addi %scan3A_11, %scan3A_12 : i32
    %scan3A_14 = arith.constant 1 : i32
    scf.for %scan3A_60 = %scan3A_11 to %scan3A_13 step %scan3A_14  : i32 {
      %mul3A_61 = arith.constant 1 : i32
      %mul3A_62 = arith.muli %scan3A_60, %mul3A_61 : i32
      %add3A_63 = arith.constant 0 : i32
      %add3A_64 = arith.addi %add3A_63, %mul3A_62 : i32
      %scan3A_65 = arith.constant 0 : i32
      %scan3A_66 = arith.constant 8 : i32
      %scan3A_67 = arith.addi %scan3A_65, %scan3A_66 : i32
      %scan3A_68 = arith.constant 1 : i32
      scf.for %scan3A_70 = %scan3A_65 to %scan3A_67 step %scan3A_68  : i32 {
        %mul3A_71 = arith.constant 16 : i32
        %mul3A_72 = arith.muli %scan3A_70, %mul3A_71 : i32
        %add3A_73 = arith.constant 0 : i32
        %add3A_74 = arith.addi %add3A_73, %mul3A_72 : i32
        %broadcast_in_dim3A = arith.constant 0.000000e+00 : f32
        %broadcast_in_dim3A_75 = vector.broadcast %broadcast_in_dim3A : f32 to vector<16xf32>
        %swap3A = arith.index_cast %add3A_64 : i32 to index
        %swap3A_76 = arith.index_cast %add3A_74 : i32 to index
        %swap3A_77 = tpu.vector_load %arg16[%swap3A, %swap3A_76] {strides = array<i32>} : memref<32x128xf32, #tpu.memory_space<vmem>>, vector<1x16xf32>,
        %swap3A_78 = vector.shape_cast %swap3A_77 : vector<1x16xf32> to vector<16xf32>
        %swap3A_79 = vector.shape_cast %broadcast_in_dim3A_75 : vector<16xf32> to vector<1x16xf32>
        tpu.vector_store %arg16[%swap3A, %swap3A_76], %swap3A_79 {strides = array<i32>} : memref<32x128xf32, #tpu.memory_space<vmem>>, vector<1x16xf32>,
      }
      %scan3A_69 = arith.constant 8 : i32
    }
    %scan3A_15 = arith.constant 32 : i32
    %dma_start3A = arith.constant 0 : i32
    %dma_start3A_16 = arith.constant 0 : i32
    %dma_start3A_17 = arith.constant 0 : i32
    %dma_start3A_18 = tpu.memref_slice %arg14[%dma_start3A, %dma_start3A_16, %dma_start3A_17] : memref<4x128x128xf32, #tpu.memory_space<vmem>> -> memref<1x128x128xf32, #tpu.memory_space<vmem>>
    %dma_start3A_19 = tpu.memref_squeeze %dma_start3A_18 : memref<1x128x128xf32, #tpu.memory_space<vmem>> -> memref<128x128xf32, #tpu.memory_space<vmem>>
    %dma_start3A_20 = arith.constant 0 : i32
    %dma_start3A_21 = tpu.memref_slice %arg12[%dma_start3A_20] : memref<40960xi32, #tpu.memory_space<vmem>> -> memref<128xi32, #tpu.memory_space<vmem>>
    %dma_start3A_22 = arith.constant 0 : i32
    %dma_start3A_23 = arith.constant 0 : i32
    %dma_start3A_24 = tpu.memref_slice %arg7[%dma_start3A_22, %dma_start3A_23] : memref<5001x128xf32, #tpu.memory_space<hbm>> -> memref<5001x128xf32, #tpu.memory_space<hbm>>
    tpu.enqueue_indirect_dma source(%dma_start3A_24 : memref<5001x128xf32, #tpu.memory_space<hbm>>) target(%dma_start3A_19 : memref<128x128xf32, #tpu.memory_space<vmem>>) offsets(%dma_start3A_21 : memref<128xi32, #tpu.memory_space<vmem>>) semaphore(%arg17 : memref<!tpu.dma_semaphore, #tpu.memory_space<semaphore_mem>>)
    %dma_start3A_25 = arith.constant 1 : i32
    %dma_start3A_26 = arith.constant 0 : i32
    %dma_start3A_27 = arith.constant 0 : i32
    %dma_start3A_28 = tpu.memref_slice %arg14[%dma_start3A_25, %dma_start3A_26, %dma_start3A_27] : memref<4x128x128xf32, #tpu.memory_space<vmem>> -> memref<1x128x128xf32, #tpu.memory_space<vmem>>
    %dma_start3A_29 = tpu.memref_squeeze %dma_start3A_28 : memref<1x128x128xf32, #tpu.memory_space<vmem>> -> memref<128x128xf32, #tpu.memory_space<vmem>>
    %dma_start3A_30 = arith.constant 10240 : i32
    %dma_start3A_31 = tpu.memref_slice %arg12[%dma_start3A_30] : memref<40960xi32, #tpu.memory_space<vmem>> -> memref<128xi32, #tpu.memory_space<vmem>>
    %dma_start3A_32 = arith.constant 0 : i32
    %dma_start3A_33 = arith.constant 0 : i32
    %dma_start3A_34 = tpu.memref_slice %arg8[%dma_start3A_32, %dma_start3A_33] : memref<20001x128xf32, #tpu.memory_space<hbm>> -> memref<20001x128xf32, #tpu.memory_space<hbm>>
    tpu.enqueue_indirect_dma source(%dma_start3A_34 : memref<20001x128xf32, #tpu.memory_space<hbm>>) target(%dma_start3A_29 : memref<128x128xf32, #tpu.memory_space<vmem>>) offsets(%dma_start3A_31 : memref<128xi32, #tpu.memory_space<vmem>>) semaphore(%arg17 : memref<!tpu.dma_semaphore, #tpu.memory_space<semaphore_mem>>)
    %dma_start3A_35 = arith.constant 2 : i32
    %dma_start3A_36 = arith.constant 0 : i32
    %dma_start3A_37 = arith.constant 0 : i32
    %dma_start3A_38 = tpu.memref_slice %arg14[%dma_start3A_35, %dma_start3A_36, %dma_start3A_37] : memref<4x128x128xf32, #tpu.memory_space<vmem>> -> memref<1x128x128xf32, #tpu.memory_space<vmem>>
    %dma_start3A_39 = tpu.memref_squeeze %dma_start3A_38 : memref<1x128x128xf32, #tpu.memory_space<vmem>> -> memref<128x128xf32, #tpu.memory_space<vmem>>
    %dma_start3A_40 = arith.constant 20480 : i32
    %dma_start3A_41 = tpu.memref_slice %arg12[%dma_start3A_40] : memref<40960xi32, #tpu.memory_space<vmem>> -> memref<128xi32, #tpu.memory_space<vmem>>
    %dma_start3A_42 = arith.constant 0 : i32
    %dma_start3A_43 = arith.constant 0 : i32
    %dma_start3A_44 = tpu.memref_slice %arg9[%dma_start3A_42, %dma_start3A_43] : memref<20001x128xf32, #tpu.memory_space<hbm>> -> memref<20001x128xf32, #tpu.memory_space<hbm>>
    tpu.enqueue_indirect_dma source(%dma_start3A_44 : memref<20001x128xf32, #tpu.memory_space<hbm>>) target(%dma_start3A_39 : memref<128x128xf32, #tpu.memory_space<vmem>>) offsets(%dma_start3A_41 : memref<128xi32, #tpu.memory_space<vmem>>) semaphore(%arg17 : memref<!tpu.dma_semaphore, #tpu.memory_space<semaphore_mem>>)
    %dma_start3A_45 = arith.constant 3 : i32
    %dma_start3A_46 = arith.constant 0 : i32
    %dma_start3A_47 = arith.constant 0 : i32
    %dma_start3A_48 = tpu.memref_slice %arg14[%dma_start3A_45, %dma_start3A_46, %dma_start3A_47] : memref<4x128x128xf32, #tpu.memory_space<vmem>> -> memref<1x128x128xf32, #tpu.memory_space<vmem>>
    %dma_start3A_49 = tpu.memref_squeeze %dma_start3A_48 : memref<1x128x128xf32, #tpu.memory_space<vmem>> -> memref<128x128xf32, #tpu.memory_space<vmem>>
    %dma_start3A_50 = arith.constant 30720 : i32
    %dma_start3A_51 = tpu.memref_slice %arg12[%dma_start3A_50] : memref<40960xi32, #tpu.memory_space<vmem>> -> memref<128xi32, #tpu.memory_space<vmem>>
    %dma_start3A_52 = arith.constant 0 : i32
    %dma_start3A_53 = arith.constant 0 : i32
    %dma_start3A_54 = tpu.memref_slice %arg10[%dma_start3A_52, %dma_start3A_53] : memref<20001x128xf32, #tpu.memory_space<hbm>> -> memref<20001x128xf32, #tpu.memory_space<hbm>>
    tpu.enqueue_indirect_dma source(%dma_start3A_54 : memref<20001x128xf32, #tpu.memory_space<hbm>>) target(%dma_start3A_49 : memref<128x128xf32, #tpu.memory_space<vmem>>) offsets(%dma_start3A_51 : memref<128xi32, #tpu.memory_space<vmem>>) semaphore(%arg17 : memref<!tpu.dma_semaphore, #tpu.memory_space<semaphore_mem>>)
    %scan3A_55 = arith.constant 0 : i32
    %scan3A_56 = arith.constant 40 : i32
    %scan3A_57 = arith.addi %scan3A_55, %scan3A_56 : i32
    %scan3A_58 = arith.constant 1 : i32
    scf.for %scan3A_60 = %scan3A_55 to %scan3A_57 step %scan3A_58  : i32 {
      %mul3A_61 = arith.constant 2 : i32
      %mul3A_62 = arith.muli %scan3A_60, %mul3A_61 : i32
      %add3A_63 = arith.constant 0 : i32
      %add3A_64 = arith.addi %add3A_63, %mul3A_62 : i32
      %eq3A = arith.constant 0 : i32
      %eq3A_65 = arith.cmpi eq, %add3A_64, %eq3A : i32
      %add3A_66 = arith.constant 0 : i32
      %add3A_67 = arith.addi %mul3A_6, %add3A_66 : i32
      %dma_start3A_68 = arith.constant 0 : i32
      %dma_start3A_69 = tpu.memref_slice %arg15[%add3A_67, %dma_start3A_68] : memref<1024x128xf32, #tpu.memory_space<vmem_shared>> -> memref<32x128xf32, #tpu.memory_space<vmem_shared>>
      %dma_start3A_70 = arith.constant 0 : i32
      %dma_start3A_71 = tpu.memref_slice %arg15[%add3A_67, %dma_start3A_70] : memref<1024x128xf32, #tpu.memory_space<vmem_shared>> -> memref<32x128xf32, #tpu.memory_space<vmem_shared>>
      tpu.enqueue_dma source(%arg16 : memref<32x128xf32, #tpu.memory_space<vmem>>) target(%dma_start3A_71 : memref<32x128xf32, #tpu.memory_space<vmem_shared>>) target_semaphore(%arg23 : memref<!tpu.dma_semaphore, #tpu.memory_space<semaphore_mem>>)
      %dma_wait3A = arith.constant 0 : i32
      %dma_wait3A_72 = tpu.memref_slice %arg15[%add3A_67, %dma_wait3A] : memref<1024x128xf32, #tpu.memory_space<vmem_shared>> -> memref<32x128xf32, #tpu.memory_space<vmem_shared>>
      %dma_wait3A_73 = arith.constant 0 : i32
      %dma_wait3A_74 = tpu.memref_slice %arg15[%add3A_67, %dma_wait3A_73] : memref<1024x128xf32, #tpu.memory_space<vmem_shared>> -> memref<32x128xf32, #tpu.memory_space<vmem_shared>>
      tpu.wait_dma2 semaphore(%arg23 : memref<!tpu.dma_semaphore, #tpu.memory_space<semaphore_mem>>) src(%arg16 : memref<32x128xf32, #tpu.memory_space<vmem>>) dst(%dma_wait3A_74 : memref<32x128xf32, #tpu.memory_space<vmem_shared>>)
      %mul3A_75 = arith.constant 128 : i32
      %mul3A_76 = arith.muli %add3A_64, %mul3A_75 : i32
      %add3A_77 = arith.constant 0 : i32
      %add3A_78 = arith.addi %add3A_77, %mul3A_76 : i32
      %dma_wait3A_79 = arith.constant 0 : i32
      %dma_wait3A_80 = arith.constant 0 : i32
      %dma_wait3A_81 = arith.constant 0 : i32
      %dma_wait3A_82 = tpu.memref_slice %arg14[%dma_wait3A_79, %dma_wait3A_80, %dma_wait3A_81] : memref<4x128x128xf32, #tpu.memory_space<vmem>> -> memref<1x128x128xf32, #tpu.memory_space<vmem>>
      %dma_wait3A_83 = tpu.memref_squeeze %dma_wait3A_82 : memref<1x128x128xf32, #tpu.memory_space<vmem>> -> memref<128x128xf32, #tpu.memory_space<vmem>>
      %dma_wait3A_84 = tpu.memref_slice %arg12[%add3A_78] : memref<40960xi32, #tpu.memory_space<vmem>> -> memref<128xi32, #tpu.memory_space<vmem>>
      %dma_wait3A_85 = arith.constant 0 : i32
      %dma_wait3A_86 = arith.constant 0 : i32
      %dma_wait3A_87 = tpu.memref_slice %arg7[%dma_wait3A_85, %dma_wait3A_86] : memref<5001x128xf32, #tpu.memory_space<hbm>> -> memref<5001x128xf32, #tpu.memory_space<hbm>>
      tpu.wait_indirect_dma semaphore(%arg17 : memref<!tpu.dma_semaphore, #tpu.memory_space<semaphore_mem>>) src(%dma_wait3A_87 : memref<5001x128xf32, #tpu.memory_space<hbm>>) dst(%dma_wait3A_83 : memref<128x128xf32, #tpu.memory_space<vmem>>)
      %mul3A_88 = arith.constant 128 : i32
      %mul3A_89 = arith.muli %add3A_64, %mul3A_88 : i32
      %add3A_90 = arith.constant 10240 : i32
      %add3A_91 = arith.addi %add3A_90, %mul3A_89 : i32
      %dma_wait3A_92 = arith.constant 1 : i32
      %dma_wait3A_93 = arith.constant 0 : i32
      %dma_wait3A_94 = arith.constant 0 : i32
      %dma_wait3A_95 = tpu.memref_slice %arg14[%dma_wait3A_92, %dma_wait3A_93, %dma_wait3A_94] : memref<4x128x128xf32, #tpu.memory_space<vmem>> -> memref<1x128x128xf32, #tpu.memory_space<vmem>>
      %dma_wait3A_96 = tpu.memref_squeeze %dma_wait3A_95 : memref<1x128x128xf32, #tpu.memory_space<vmem>> -> memref<128x128xf32, #tpu.memory_space<vmem>>
      %dma_wait3A_97 = tpu.memref_slice %arg12[%add3A_91] : memref<40960xi32, #tpu.memory_space<vmem>> -> memref<128xi32, #tpu.memory_space<vmem>>
      %dma_wait3A_98 = arith.constant 0 : i32
      %dma_wait3A_99 = arith.constant 0 : i32
      %dma_wait3A_100 = tpu.memref_slice %arg8[%dma_wait3A_98, %dma_wait3A_99] : memref<20001x128xf32, #tpu.memory_space<hbm>> -> memref<20001x128xf32, #tpu.memory_space<hbm>>
      tpu.wait_indirect_dma semaphore(%arg17 : memref<!tpu.dma_semaphore, #tpu.memory_space<semaphore_mem>>) src(%dma_wait3A_100 : memref<20001x128xf32, #tpu.memory_space<hbm>>) dst(%dma_wait3A_96 : memref<128x128xf32, #tpu.memory_space<vmem>>)
      %mul3A_101 = arith.constant 128 : i32
      %mul3A_102 = arith.muli %add3A_64, %mul3A_101 : i32
      %add3A_103 = arith.constant 20480 : i32
      %add3A_104 = arith.addi %add3A_103, %mul3A_102 : i32
      %dma_wait3A_105 = arith.constant 2 : i32
      %dma_wait3A_106 = arith.constant 0 : i32
      %dma_wait3A_107 = arith.constant 0 : i32
      %dma_wait3A_108 = tpu.memref_slice %arg14[%dma_wait3A_105, %dma_wait3A_106, %dma_wait3A_107] : memref<4x128x128xf32, #tpu.memory_space<vmem>> -> memref<1x128x128xf32, #tpu.memory_space<vmem>>
      %dma_wait3A_109 = tpu.memref_squeeze %dma_wait3A_108 : memref<1x128x128xf32, #tpu.memory_space<vmem>> -> memref<128x128xf32, #tpu.memory_space<vmem>>
      %dma_wait3A_110 = tpu.memref_slice %arg12[%add3A_104] : memref<40960xi32, #tpu.memory_space<vmem>> -> memref<128xi32, #tpu.memory_space<vmem>>
      %dma_wait3A_111 = arith.constant 0 : i32
      %dma_wait3A_112 = arith.constant 0 : i32
      %dma_wait3A_113 = tpu.memref_slice %arg9[%dma_wait3A_111, %dma_wait3A_112] : memref<20001x128xf32, #tpu.memory_space<hbm>> -> memref<20001x128xf32, #tpu.memory_space<hbm>>
      tpu.wait_indirect_dma semaphore(%arg17 : memref<!tpu.dma_semaphore, #tpu.memory_space<semaphore_mem>>) src(%dma_wait3A_113 : memref<20001x128xf32, #tpu.memory_space<hbm>>) dst(%dma_wait3A_109 : memref<128x128xf32, #tpu.memory_space<vmem>>)
      %mul3A_114 = arith.constant 128 : i32
      %mul3A_115 = arith.muli %add3A_64, %mul3A_114 : i32
      %add3A_116 = arith.constant 30720 : i32
      %add3A_117 = arith.addi %add3A_116, %mul3A_115 : i32
      %dma_wait3A_118 = arith.constant 3 : i32
      %dma_wait3A_119 = arith.constant 0 : i32
      %dma_wait3A_120 = arith.constant 0 : i32
      %dma_wait3A_121 = tpu.memref_slice %arg14[%dma_wait3A_118, %dma_wait3A_119, %dma_wait3A_120] : memref<4x128x128xf32, #tpu.memory_space<vmem>> -> memref<1x128x128xf32, #tpu.memory_space<vmem>>
      %dma_wait3A_122 = tpu.memref_squeeze %dma_wait3A_121 : memref<1x128x128xf32, #tpu.memory_space<vmem>> -> memref<128x128xf32, #tpu.memory_space<vmem>>
      %dma_wait3A_123 = tpu.memref_slice %arg12[%add3A_117] : memref<40960xi32, #tpu.memory_space<vmem>> -> memref<128xi32, #tpu.memory_space<vmem>>
      %dma_wait3A_124 = arith.constant 0 : i32
      %dma_wait3A_125 = arith.constant 0 : i32
      %dma_wait3A_126 = tpu.memref_slice %arg10[%dma_wait3A_124, %dma_wait3A_125] : memref<20001x128xf32, #tpu.memory_space<hbm>> -> memref<20001x128xf32, #tpu.memory_space<hbm>>
      tpu.wait_indirect_dma semaphore(%arg17 : memref<!tpu.dma_semaphore, #tpu.memory_space<semaphore_mem>>) src(%dma_wait3A_126 : memref<20001x128xf32, #tpu.memory_space<hbm>>) dst(%dma_wait3A_122 : memref<128x128xf32, #tpu.memory_space<vmem>>)
      %dma_start3A_127 = arith.constant 0 : i32
      %dma_start3A_128 = arith.constant 0 : i32
      %dma_start3A_129 = arith.constant 0 : i32
      %dma_start3A_130 = arith.constant 0 : i32
      %dma_start3A_131 = tpu.memref_slice %arg14[%dma_start3A_127, %dma_start3A_129, %dma_start3A_130] : memref<4x128x128xf32, #tpu.memory_space<vmem>> -> memref<1x128x128xf32, #tpu.memory_space<vmem>>
      %dma_start3A_132 = tpu.memref_squeeze %dma_start3A_131 : memref<1x128x128xf32, #tpu.memory_space<vmem>> -> memref<128x128xf32, #tpu.memory_space<vmem>>
      %dma_start3A_133 = arith.constant 0 : i32
      %dma_start3A_134 = tpu.memref_slice %arg13[%dma_start3A_128, %dma_start3A_133] : memref<8x128xi32, #tpu.memory_space<vmem>> -> memref<1x128xi32, #tpu.memory_space<vmem>>
      %dma_start3A_135 = tpu.memref_squeeze %dma_start3A_134 : memref<1x128xi32, #tpu.memory_space<vmem>> -> memref<128xi32, #tpu.memory_space<vmem>>
      %dma_start3A_136 = arith.constant 0 : i32
      %dma_start3A_137 = arith.constant 0 : i32
      %dma_start3A_138 = tpu.memref_slice %arg15[%dma_start3A_136, %dma_start3A_137] : memref<1024x128xf32, #tpu.memory_space<vmem_shared>> -> memref<1024x128xf32, #tpu.memory_space<vmem_shared>>
      tpu.enqueue_indirect_dma source(%dma_start3A_132 : memref<128x128xf32, #tpu.memory_space<vmem>>) target(%dma_start3A_138 : memref<1024x128xf32, #tpu.memory_space<vmem_shared>>) offsets(%dma_start3A_135 : memref<128xi32, #tpu.memory_space<vmem>>) semaphore(%arg19 : memref<!tpu.dma_semaphore, #tpu.memory_space<semaphore_mem>>) {add = true}
      %dma_start3A_139 = arith.constant 1 : i32
      %dma_start3A_140 = arith.constant 1 : i32
      %dma_start3A_141 = arith.constant 0 : i32
      %dma_start3A_142 = arith.constant 0 : i32
      %dma_start3A_143 = tpu.memref_slice %arg14[%dma_start3A_139, %dma_start3A_141, %dma_start3A_142] : memref<4x128x128xf32, #tpu.memory_space<vmem>> -> memref<1x128x128xf32, #tpu.memory_space<vmem>>
      %dma_start3A_144 = tpu.memref_squeeze %dma_start3A_143 : memref<1x128x128xf32, #tpu.memory_space<vmem>> -> memref<128x128xf32, #tpu.memory_space<vmem>>
      %dma_start3A_145 = arith.constant 0 : i32
      %dma_start3A_146 = tpu.memref_slice %arg13[%dma_start3A_140, %dma_start3A_145] : memref<8x128xi32, #tpu.memory_space<vmem>> -> memref<1x128xi32, #tpu.memory_space<vmem>>
      %dma_start3A_147 = tpu.memref_squeeze %dma_start3A_146 : memref<1x128xi32, #tpu.memory_space<vmem>> -> memref<128xi32, #tpu.memory_space<vmem>>
      %dma_start3A_148 = arith.constant 0 : i32
      %dma_start3A_149 = arith.constant 0 : i32
      %dma_start3A_150 = tpu.memref_slice %arg15[%dma_start3A_148, %dma_start3A_149] : memref<1024x128xf32, #tpu.memory_space<vmem_shared>> -> memref<1024x128xf32, #tpu.memory_space<vmem_shared>>
      tpu.enqueue_indirect_dma source(%dma_start3A_144 : memref<128x128xf32, #tpu.memory_space<vmem>>) target(%dma_start3A_150 : memref<1024x128xf32, #tpu.memory_space<vmem_shared>>) offsets(%dma_start3A_147 : memref<128xi32, #tpu.memory_space<vmem>>) semaphore(%arg19 : memref<!tpu.dma_semaphore, #tpu.memory_space<semaphore_mem>>) {add = true}
      %dma_start3A_151 = arith.constant 2 : i32
      %dma_start3A_152 = arith.constant 2 : i32
      %dma_start3A_153 = arith.constant 0 : i32
      %dma_start3A_154 = arith.constant 0 : i32
      %dma_start3A_155 = tpu.memref_slice %arg14[%dma_start3A_151, %dma_start3A_153, %dma_start3A_154] : memref<4x128x128xf32, #tpu.memory_space<vmem>> -> memref<1x128x128xf32, #tpu.memory_space<vmem>>
      %dma_start3A_156 = tpu.memref_squeeze %dma_start3A_155 : memref<1x128x128xf32, #tpu.memory_space<vmem>> -> memref<128x128xf32, #tpu.memory_space<vmem>>
      %dma_start3A_157 = arith.constant 0 : i32
      %dma_start3A_158 = tpu.memref_slice %arg13[%dma_start3A_152, %dma_start3A_157] : memref<8x128xi32, #tpu.memory_space<vmem>> -> memref<1x128xi32, #tpu.memory_space<vmem>>
      %dma_start3A_159 = tpu.memref_squeeze %dma_start3A_158 : memref<1x128xi32, #tpu.memory_space<vmem>> -> memref<128xi32, #tpu.memory_space<vmem>>
      %dma_start3A_160 = arith.constant 0 : i32
      %dma_start3A_161 = arith.constant 0 : i32
      %dma_start3A_162 = tpu.memref_slice %arg15[%dma_start3A_160, %dma_start3A_161] : memref<1024x128xf32, #tpu.memory_space<vmem_shared>> -> memref<1024x128xf32, #tpu.memory_space<vmem_shared>>
      tpu.enqueue_indirect_dma source(%dma_start3A_156 : memref<128x128xf32, #tpu.memory_space<vmem>>) target(%dma_start3A_162 : memref<1024x128xf32, #tpu.memory_space<vmem_shared>>) offsets(%dma_start3A_159 : memref<128xi32, #tpu.memory_space<vmem>>) semaphore(%arg19 : memref<!tpu.dma_semaphore, #tpu.memory_space<semaphore_mem>>) {add = true}
      %dma_start3A_163 = arith.constant 3 : i32
      %dma_start3A_164 = arith.constant 3 : i32
      %dma_start3A_165 = arith.constant 0 : i32
      %dma_start3A_166 = arith.constant 0 : i32
      %dma_start3A_167 = tpu.memref_slice %arg14[%dma_start3A_163, %dma_start3A_165, %dma_start3A_166] : memref<4x128x128xf32, #tpu.memory_space<vmem>> -> memref<1x128x128xf32, #tpu.memory_space<vmem>>
      %dma_start3A_168 = tpu.memref_squeeze %dma_start3A_167 : memref<1x128x128xf32, #tpu.memory_space<vmem>> -> memref<128x128xf32, #tpu.memory_space<vmem>>
      %dma_start3A_169 = arith.constant 0 : i32
      %dma_start3A_170 = tpu.memref_slice %arg13[%dma_start3A_164, %dma_start3A_169] : memref<8x128xi32, #tpu.memory_space<vmem>> -> memref<1x128xi32, #tpu.memory_space<vmem>>
      %dma_start3A_171 = tpu.memref_squeeze %dma_start3A_170 : memref<1x128xi32, #tpu.memory_space<vmem>> -> memref<128xi32, #tpu.memory_space<vmem>>
      %dma_start3A_172 = arith.constant 0 : i32
      %dma_start3A_173 = arith.constant 0 : i32
      %dma_start3A_174 = tpu.memref_slice %arg15[%dma_start3A_172, %dma_start3A_173] : memref<1024x128xf32, #tpu.memory_space<vmem_shared>> -> memref<1024x128xf32, #tpu.memory_space<vmem_shared>>
      tpu.enqueue_indirect_dma source(%dma_start3A_168 : memref<128x128xf32, #tpu.memory_space<vmem>>) target(%dma_start3A_174 : memref<1024x128xf32, #tpu.memory_space<vmem_shared>>) offsets(%dma_start3A_171 : memref<128xi32, #tpu.memory_space<vmem>>) semaphore(%arg19 : memref<!tpu.dma_semaphore, #tpu.memory_space<semaphore_mem>>) {add = true}
      %dma_wait3A_175 = arith.constant 0 : i32
      %dma_wait3A_176 = arith.constant 0 : i32
      %dma_wait3A_177 = arith.constant 0 : i32
      %dma_wait3A_178 = arith.constant 0 : i32
      %dma_wait3A_179 = tpu.memref_slice %arg14[%dma_wait3A_175, %dma_wait3A_177, %dma_wait3A_178] : memref<4x128x128xf32, #tpu.memory_space<vmem>> -> memref<1x128x128xf32, #tpu.memory_space<vmem>>
      %dma_wait3A_180 = tpu.memref_squeeze %dma_wait3A_179 : memref<1x128x128xf32, #tpu.memory_space<vmem>> -> memref<128x128xf32, #tpu.memory_space<vmem>>
      %dma_wait3A_181 = arith.constant 0 : i32
      %dma_wait3A_182 = tpu.memref_slice %arg13[%dma_wait3A_176, %dma_wait3A_181] : memref<8x128xi32, #tpu.memory_space<vmem>> -> memref<1x128xi32, #tpu.memory_space<vmem>>
      %dma_wait3A_183 = tpu.memref_squeeze %dma_wait3A_182 : memref<1x128xi32, #tpu.memory_space<vmem>> -> memref<128xi32, #tpu.memory_space<vmem>>
      %dma_wait3A_184 = arith.constant 0 : i32
      %dma_wait3A_185 = arith.constant 0 : i32
      %dma_wait3A_186 = tpu.memref_slice %arg15[%dma_wait3A_184, %dma_wait3A_185] : memref<1024x128xf32, #tpu.memory_space<vmem_shared>> -> memref<1024x128xf32, #tpu.memory_space<vmem_shared>>
      tpu.wait_indirect_dma semaphore(%arg19 : memref<!tpu.dma_semaphore, #tpu.memory_space<semaphore_mem>>) src(%dma_wait3A_180 : memref<128x128xf32, #tpu.memory_space<vmem>>) dst(%dma_wait3A_186 : memref<1024x128xf32, #tpu.memory_space<vmem_shared>>)
      %dma_wait3A_187 = arith.constant 1 : i32
      %dma_wait3A_188 = arith.constant 1 : i32
      %dma_wait3A_189 = arith.constant 0 : i32
      %dma_wait3A_190 = arith.constant 0 : i32
      %dma_wait3A_191 = tpu.memref_slice %arg14[%dma_wait3A_187, %dma_wait3A_189, %dma_wait3A_190] : memref<4x128x128xf32, #tpu.memory_space<vmem>> -> memref<1x128x128xf32, #tpu.memory_space<vmem>>
      %dma_wait3A_192 = tpu.memref_squeeze %dma_wait3A_191 : memref<1x128x128xf32, #tpu.memory_space<vmem>> -> memref<128x128xf32, #tpu.memory_space<vmem>>
      %dma_wait3A_193 = arith.constant 0 : i32
      %dma_wait3A_194 = tpu.memref_slice %arg13[%dma_wait3A_188, %dma_wait3A_193] : memref<8x128xi32, #tpu.memory_space<vmem>> -> memref<1x128xi32, #tpu.memory_space<vmem>>
      %dma_wait3A_195 = tpu.memref_squeeze %dma_wait3A_194 : memref<1x128xi32, #tpu.memory_space<vmem>> -> memref<128xi32, #tpu.memory_space<vmem>>
      %dma_wait3A_196 = arith.constant 0 : i32
      %dma_wait3A_197 = arith.constant 0 : i32
      %dma_wait3A_198 = tpu.memref_slice %arg15[%dma_wait3A_196, %dma_wait3A_197] : memref<1024x128xf32, #tpu.memory_space<vmem_shared>> -> memref<1024x128xf32, #tpu.memory_space<vmem_shared>>
      tpu.wait_indirect_dma semaphore(%arg19 : memref<!tpu.dma_semaphore, #tpu.memory_space<semaphore_mem>>) src(%dma_wait3A_192 : memref<128x128xf32, #tpu.memory_space<vmem>>) dst(%dma_wait3A_198 : memref<1024x128xf32, #tpu.memory_space<vmem_shared>>)
      %dma_wait3A_199 = arith.constant 2 : i32
      %dma_wait3A_200 = arith.constant 2 : i32
      %dma_wait3A_201 = arith.constant 0 : i32
      %dma_wait3A_202 = arith.constant 0 : i32
      %dma_wait3A_203 = tpu.memref_slice %arg14[%dma_wait3A_199, %dma_wait3A_201, %dma_wait3A_202] : memref<4x128x128xf32, #tpu.memory_space<vmem>> -> memref<1x128x128xf32, #tpu.memory_space<vmem>>
      %dma_wait3A_204 = tpu.memref_squeeze %dma_wait3A_203 : memref<1x128x128xf32, #tpu.memory_space<vmem>> -> memref<128x128xf32, #tpu.memory_space<vmem>>
      %dma_wait3A_205 = arith.constant 0 : i32
      %dma_wait3A_206 = tpu.memref_slice %arg13[%dma_wait3A_200, %dma_wait3A_205] : memref<8x128xi32, #tpu.memory_space<vmem>> -> memref<1x128xi32, #tpu.memory_space<vmem>>
      %dma_wait3A_207 = tpu.memref_squeeze %dma_wait3A_206 : memref<1x128xi32, #tpu.memory_space<vmem>> -> memref<128xi32, #tpu.memory_space<vmem>>
      %dma_wait3A_208 = arith.constant 0 : i32
      %dma_wait3A_209 = arith.constant 0 : i32
      %dma_wait3A_210 = tpu.memref_slice %arg15[%dma_wait3A_208, %dma_wait3A_209] : memref<1024x128xf32, #tpu.memory_space<vmem_shared>> -> memref<1024x128xf32, #tpu.memory_space<vmem_shared>>
      tpu.wait_indirect_dma semaphore(%arg19 : memref<!tpu.dma_semaphore, #tpu.memory_space<semaphore_mem>>) src(%dma_wait3A_204 : memref<128x128xf32, #tpu.memory_space<vmem>>) dst(%dma_wait3A_210 : memref<1024x128xf32, #tpu.memory_space<vmem_shared>>)
      %dma_wait3A_211 = arith.constant 3 : i32
      %dma_wait3A_212 = arith.constant 3 : i32
      %dma_wait3A_213 = arith.constant 0 : i32
      %dma_wait3A_214 = arith.constant 0 : i32
      %dma_wait3A_215 = tpu.memref_slice %arg14[%dma_wait3A_211, %dma_wait3A_213, %dma_wait3A_214] : memref<4x128x128xf32, #tpu.memory_space<vmem>> -> memref<1x128x128xf32, #tpu.memory_space<vmem>>
      %dma_wait3A_216 = tpu.memref_squeeze %dma_wait3A_215 : memref<1x128x128xf32, #tpu.memory_space<vmem>> -> memref<128x128xf32, #tpu.memory_space<vmem>>
      %dma_wait3A_217 = arith.constant 0 : i32
      %dma_wait3A_218 = tpu.memref_slice %arg13[%dma_wait3A_212, %dma_wait3A_217] : memref<8x128xi32, #tpu.memory_space<vmem>> -> memref<1x128xi32, #tpu.memory_space<vmem>>
      %dma_wait3A_219 = tpu.memref_squeeze %dma_wait3A_218 : memref<1x128xi32, #tpu.memory_space<vmem>> -> memref<128xi32, #tpu.memory_space<vmem>>
      %dma_wait3A_220 = arith.constant 0 : i32
      %dma_wait3A_221 = arith.constant 0 : i32
      %dma_wait3A_222 = tpu.memref_slice %arg15[%dma_wait3A_220, %dma_wait3A_221] : memref<1024x128xf32, #tpu.memory_space<vmem_shared>> -> memref<1024x128xf32, #tpu.memory_space<vmem_shared>>
      tpu.wait_indirect_dma semaphore(%arg19 : memref<!tpu.dma_semaphore, #tpu.memory_space<semaphore_mem>>) src(%dma_wait3A_216 : memref<128x128xf32, #tpu.memory_space<vmem>>) dst(%dma_wait3A_222 : memref<1024x128xf32, #tpu.memory_space<vmem_shared>>)
      %add3A_223 = arith.constant 1 : i32
      %add3A_224 = arith.addi %add3A_64, %add3A_223 : i32
      %lt3A = arith.constant 80 : i32
      %lt3A_225 = arith.cmpi slt, %add3A_224, %lt3A : i32
      %convert_element_type3A = arith.extui %lt3A_225 : i1 to i32
      %cond3A = arith.constant 0 : i32
      %cond3A_226 = arith.cmpi ne, %convert_element_type3A, %cond3A : i32
      scf.if %cond3A_226 {
        %add3A_468 = arith.constant 1 : i32
        %add3A_469 = arith.addi %add3A_64, %add3A_468 : i32
        %mul3A_470 = arith.constant 128 : i32
        %mul3A_471 = arith.muli %add3A_469, %mul3A_470 : i32
        %add3A_472 = arith.constant 0 : i32
        %add3A_473 = arith.addi %add3A_472, %mul3A_471 : i32
        %dma_start3A_474 = arith.constant 0 : i32
        %dma_start3A_475 = arith.constant 0 : i32
        %dma_start3A_476 = arith.constant 0 : i32
        %dma_start3A_477 = tpu.memref_slice %arg14[%dma_start3A_474, %dma_start3A_475, %dma_start3A_476] : memref<4x128x128xf32, #tpu.memory_space<vmem>> -> memref<1x128x128xf32, #tpu.memory_space<vmem>>
        %dma_start3A_478 = tpu.memref_squeeze %dma_start3A_477 : memref<1x128x128xf32, #tpu.memory_space<vmem>> -> memref<128x128xf32, #tpu.memory_space<vmem>>
        %dma_start3A_479 = tpu.memref_slice %arg12[%add3A_473] : memref<40960xi32, #tpu.memory_space<vmem>> -> memref<128xi32, #tpu.memory_space<vmem>>
        %dma_start3A_480 = arith.constant 0 : i32
        %dma_start3A_481 = arith.constant 0 : i32
        %dma_start3A_482 = tpu.memref_slice %arg7[%dma_start3A_480, %dma_start3A_481] : memref<5001x128xf32, #tpu.memory_space<hbm>> -> memref<5001x128xf32, #tpu.memory_space<hbm>>
        tpu.enqueue_indirect_dma source(%dma_start3A_482 : memref<5001x128xf32, #tpu.memory_space<hbm>>) target(%dma_start3A_478 : memref<128x128xf32, #tpu.memory_space<vmem>>) offsets(%dma_start3A_479 : memref<128xi32, #tpu.memory_space<vmem>>) semaphore(%arg17 : memref<!tpu.dma_semaphore, #tpu.memory_space<semaphore_mem>>)
        %mul3A_483 = arith.constant 128 : i32
        %mul3A_484 = arith.muli %add3A_469, %mul3A_483 : i32
        %add3A_485 = arith.constant 10240 : i32
        %add3A_486 = arith.addi %add3A_485, %mul3A_484 : i32
        %dma_start3A_487 = arith.constant 1 : i32
        %dma_start3A_488 = arith.constant 0 : i32
        %dma_start3A_489 = arith.constant 0 : i32
        %dma_start3A_490 = tpu.memref_slice %arg14[%dma_start3A_487, %dma_start3A_488, %dma_start3A_489] : memref<4x128x128xf32, #tpu.memory_space<vmem>> -> memref<1x128x128xf32, #tpu.memory_space<vmem>>
        %dma_start3A_491 = tpu.memref_squeeze %dma_start3A_490 : memref<1x128x128xf32, #tpu.memory_space<vmem>> -> memref<128x128xf32, #tpu.memory_space<vmem>>
        %dma_start3A_492 = tpu.memref_slice %arg12[%add3A_486] : memref<40960xi32, #tpu.memory_space<vmem>> -> memref<128xi32, #tpu.memory_space<vmem>>
        %dma_start3A_493 = arith.constant 0 : i32
        %dma_start3A_494 = arith.constant 0 : i32
        %dma_start3A_495 = tpu.memref_slice %arg8[%dma_start3A_493, %dma_start3A_494] : memref<20001x128xf32, #tpu.memory_space<hbm>> -> memref<20001x128xf32, #tpu.memory_space<hbm>>
        tpu.enqueue_indirect_dma source(%dma_start3A_495 : memref<20001x128xf32, #tpu.memory_space<hbm>>) target(%dma_start3A_491 : memref<128x128xf32, #tpu.memory_space<vmem>>) offsets(%dma_start3A_492 : memref<128xi32, #tpu.memory_space<vmem>>) semaphore(%arg17 : memref<!tpu.dma_semaphore, #tpu.memory_space<semaphore_mem>>)
        %mul3A_496 = arith.constant 128 : i32
        %mul3A_497 = arith.muli %add3A_469, %mul3A_496 : i32
        %add3A_498 = arith.constant 20480 : i32
        %add3A_499 = arith.addi %add3A_498, %mul3A_497 : i32
        %dma_start3A_500 = arith.constant 2 : i32
        %dma_start3A_501 = arith.constant 0 : i32
        %dma_start3A_502 = arith.constant 0 : i32
        %dma_start3A_503 = tpu.memref_slice %arg14[%dma_start3A_500, %dma_start3A_501, %dma_start3A_502] : memref<4x128x128xf32, #tpu.memory_space<vmem>> -> memref<1x128x128xf32, #tpu.memory_space<vmem>>
        %dma_start3A_504 = tpu.memref_squeeze %dma_start3A_503 : memref<1x128x128xf32, #tpu.memory_space<vmem>> -> memref<128x128xf32, #tpu.memory_space<vmem>>
        %dma_start3A_505 = tpu.memref_slice %arg12[%add3A_499] : memref<40960xi32, #tpu.memory_space<vmem>> -> memref<128xi32, #tpu.memory_space<vmem>>
        %dma_start3A_506 = arith.constant 0 : i32
        %dma_start3A_507 = arith.constant 0 : i32
        %dma_start3A_508 = tpu.memref_slice %arg9[%dma_start3A_506, %dma_start3A_507] : memref<20001x128xf32, #tpu.memory_space<hbm>> -> memref<20001x128xf32, #tpu.memory_space<hbm>>
        tpu.enqueue_indirect_dma source(%dma_start3A_508 : memref<20001x128xf32, #tpu.memory_space<hbm>>) target(%dma_start3A_504 : memref<128x128xf32, #tpu.memory_space<vmem>>) offsets(%dma_start3A_505 : memref<128xi32, #tpu.memory_space<vmem>>) semaphore(%arg17 : memref<!tpu.dma_semaphore, #tpu.memory_space<semaphore_mem>>)
        %mul3A_509 = arith.constant 128 : i32
        %mul3A_510 = arith.muli %add3A_469, %mul3A_509 : i32
        %add3A_511 = arith.constant 30720 : i32
        %add3A_512 = arith.addi %add3A_511, %mul3A_510 : i32
        %dma_start3A_513 = arith.constant 3 : i32
        %dma_start3A_514 = arith.constant 0 : i32
        %dma_start3A_515 = arith.constant 0 : i32
        %dma_start3A_516 = tpu.memref_slice %arg14[%dma_start3A_513, %dma_start3A_514, %dma_start3A_515] : memref<4x128x128xf32, #tpu.memory_space<vmem>> -> memref<1x128x128xf32, #tpu.memory_space<vmem>>
        %dma_start3A_517 = tpu.memref_squeeze %dma_start3A_516 : memref<1x128x128xf32, #tpu.memory_space<vmem>> -> memref<128x128xf32, #tpu.memory_space<vmem>>
        %dma_start3A_518 = tpu.memref_slice %arg12[%add3A_512] : memref<40960xi32, #tpu.memory_space<vmem>> -> memref<128xi32, #tpu.memory_space<vmem>>
        %dma_start3A_519 = arith.constant 0 : i32
        %dma_start3A_520 = arith.constant 0 : i32
        %dma_start3A_521 = tpu.memref_slice %arg10[%dma_start3A_519, %dma_start3A_520] : memref<20001x128xf32, #tpu.memory_space<hbm>> -> memref<20001x128xf32, #tpu.memory_space<hbm>>
        tpu.enqueue_indirect_dma source(%dma_start3A_521 : memref<20001x128xf32, #tpu.memory_space<hbm>>) target(%dma_start3A_517 : memref<128x128xf32, #tpu.memory_space<vmem>>) offsets(%dma_start3A_518 : memref<128xi32, #tpu.memory_space<vmem>>) semaphore(%arg17 : memref<!tpu.dma_semaphore, #tpu.memory_space<semaphore_mem>>)
      } else {
      }
      %add3A_227 = arith.constant 0 : i32
      %add3A_228 = arith.addi %mul3A_6, %add3A_227 : i32
      %add3A_229 = arith.constant 0 : i32
      %add3A_230 = arith.addi %add3A_228, %add3A_229 : i32
      %add3A_231 = arith.constant 0 : i32
      %add3A_232 = arith.addi %add3A_231, %mul3A_2 : i32
      %mul3A_233 = arith.constant 8 : i32
      %mul3A_234 = arith.muli %add3A_64, %mul3A_233 : i32
      %add3A_235 = arith.addi %add3A_232, %mul3A_234 : i32
      "tpu.region"() ({
        %run_scoped3A = tpu.sem_alloc : memref<!tpu.dma_semaphore, #tpu.memory_space<semaphore_mem>>
        %dma_start3A_468 = arith.constant 0 : i32
        %dma_start3A_469 = tpu.memref_slice %arg11[%add3A_235, %dma_start3A_468] : memref<81920x128xf32, #tpu.memory_space<hbm>> -> memref<8x128xf32, #tpu.memory_space<hbm>>
        %dma_start3A_470 = arith.constant 0 : i32
        %dma_start3A_471 = tpu.memref_slice %arg15[%add3A_230, %dma_start3A_470] : memref<1024x128xf32, #tpu.memory_space<vmem_shared>> -> memref<8x128xf32, #tpu.memory_space<vmem_shared>>
        tpu.enqueue_dma source(%dma_start3A_471 : memref<8x128xf32, #tpu.memory_space<vmem_shared>>) target(%dma_start3A_469 : memref<8x128xf32, #tpu.memory_space<hbm>>) target_semaphore(%run_scoped3A : memref<!tpu.dma_semaphore, #tpu.memory_space<semaphore_mem>>)
        %dma_wait3A_472 = arith.constant 0 : i32
        %dma_wait3A_473 = tpu.memref_slice %arg11[%add3A_235, %dma_wait3A_472] : memref<81920x128xf32, #tpu.memory_space<hbm>> -> memref<8x128xf32, #tpu.memory_space<hbm>>
        %dma_wait3A_474 = arith.constant 0 : i32
        %dma_wait3A_475 = tpu.memref_slice %arg15[%add3A_230, %dma_wait3A_474] : memref<1024x128xf32, #tpu.memory_space<vmem_shared>> -> memref<8x128xf32, #tpu.memory_space<vmem_shared>>
        tpu.wait_dma2 semaphore(%run_scoped3A : memref<!tpu.dma_semaphore, #tpu.memory_space<semaphore_mem>>) src(%dma_wait3A_475 : memref<8x128xf32, #tpu.memory_space<vmem_shared>>) dst(%dma_wait3A_473 : memref<8x128xf32, #tpu.memory_space<hbm>>)
        tpu.yield
      }) : () -> ()
      %add3A_236 = arith.constant 0 : i32
      %add3A_237 = arith.addi %mul3A_6, %add3A_236 : i32
      %add3A_238 = arith.constant 8 : i32
      %add3A_239 = arith.addi %add3A_237, %add3A_238 : i32
      %add3A_240 = arith.constant 20480 : i32
      %add3A_241 = arith.addi %add3A_240, %mul3A_2 : i32
      %mul3A_242 = arith.constant 8 : i32
      %mul3A_243 = arith.muli %add3A_64, %mul3A_242 : i32
      %add3A_244 = arith.addi %add3A_241, %mul3A_243 : i32
      "tpu.region"() ({
        %run_scoped3A = tpu.sem_alloc : memref<!tpu.dma_semaphore, #tpu.memory_space<semaphore_mem>>
        %dma_start3A_468 = arith.constant 0 : i32
        %dma_start3A_469 = tpu.memref_slice %arg11[%add3A_244, %dma_start3A_468] : memref<81920x128xf32, #tpu.memory_space<hbm>> -> memref<8x128xf32, #tpu.memory_space<hbm>>
        %dma_start3A_470 = arith.constant 0 : i32
        %dma_start3A_471 = tpu.memref_slice %arg15[%add3A_239, %dma_start3A_470] : memref<1024x128xf32, #tpu.memory_space<vmem_shared>> -> memref<8x128xf32, #tpu.memory_space<vmem_shared>>
        tpu.enqueue_dma source(%dma_start3A_471 : memref<8x128xf32, #tpu.memory_space<vmem_shared>>) target(%dma_start3A_469 : memref<8x128xf32, #tpu.memory_space<hbm>>) target_semaphore(%run_scoped3A : memref<!tpu.dma_semaphore, #tpu.memory_space<semaphore_mem>>)
        %dma_wait3A_472 = arith.constant 0 : i32
        %dma_wait3A_473 = tpu.memref_slice %arg11[%add3A_244, %dma_wait3A_472] : memref<81920x128xf32, #tpu.memory_space<hbm>> -> memref<8x128xf32, #tpu.memory_space<hbm>>
        %dma_wait3A_474 = arith.constant 0 : i32
        %dma_wait3A_475 = tpu.memref_slice %arg15[%add3A_239, %dma_wait3A_474] : memref<1024x128xf32, #tpu.memory_space<vmem_shared>> -> memref<8x128xf32, #tpu.memory_space<vmem_shared>>
        tpu.wait_dma2 semaphore(%run_scoped3A : memref<!tpu.dma_semaphore, #tpu.memory_space<semaphore_mem>>) src(%dma_wait3A_475 : memref<8x128xf32, #tpu.memory_space<vmem_shared>>) dst(%dma_wait3A_473 : memref<8x128xf32, #tpu.memory_space<hbm>>)
        tpu.yield
      }) : () -> ()
      %add3A_245 = arith.constant 0 : i32
      %add3A_246 = arith.addi %mul3A_6, %add3A_245 : i32
      %add3A_247 = arith.constant 16 : i32
      %add3A_248 = arith.addi %add3A_246, %add3A_247 : i32
      %add3A_249 = arith.constant 40960 : i32
      %add3A_250 = arith.addi %add3A_249, %mul3A_2 : i32
      %mul3A_251 = arith.constant 8 : i32
      %mul3A_252 = arith.muli %add3A_64, %mul3A_251 : i32
      %add3A_253 = arith.addi %add3A_250, %mul3A_252 : i32
      "tpu.region"() ({
        %run_scoped3A = tpu.sem_alloc : memref<!tpu.dma_semaphore, #tpu.memory_space<semaphore_mem>>
        %dma_start3A_468 = arith.constant 0 : i32
        %dma_start3A_469 = tpu.memref_slice %arg11[%add3A_253, %dma_start3A_468] : memref<81920x128xf32, #tpu.memory_space<hbm>> -> memref<8x128xf32, #tpu.memory_space<hbm>>
        %dma_start3A_470 = arith.constant 0 : i32
        %dma_start3A_471 = tpu.memref_slice %arg15[%add3A_248, %dma_start3A_470] : memref<1024x128xf32, #tpu.memory_space<vmem_shared>> -> memref<8x128xf32, #tpu.memory_space<vmem_shared>>
        tpu.enqueue_dma source(%dma_start3A_471 : memref<8x128xf32, #tpu.memory_space<vmem_shared>>) target(%dma_start3A_469 : memref<8x128xf32, #tpu.memory_space<hbm>>) target_semaphore(%run_scoped3A : memref<!tpu.dma_semaphore, #tpu.memory_space<semaphore_mem>>)
        %dma_wait3A_472 = arith.constant 0 : i32
        %dma_wait3A_473 = tpu.memref_slice %arg11[%add3A_253, %dma_wait3A_472] : memref<81920x128xf32, #tpu.memory_space<hbm>> -> memref<8x128xf32, #tpu.memory_space<hbm>>
        %dma_wait3A_474 = arith.constant 0 : i32
        %dma_wait3A_475 = tpu.memref_slice %arg15[%add3A_248, %dma_wait3A_474] : memref<1024x128xf32, #tpu.memory_space<vmem_shared>> -> memref<8x128xf32, #tpu.memory_space<vmem_shared>>
        tpu.wait_dma2 semaphore(%run_scoped3A : memref<!tpu.dma_semaphore, #tpu.memory_space<semaphore_mem>>) src(%dma_wait3A_475 : memref<8x128xf32, #tpu.memory_space<vmem_shared>>) dst(%dma_wait3A_473 : memref<8x128xf32, #tpu.memory_space<hbm>>)
        tpu.yield
      }) : () -> ()
      %add3A_254 = arith.constant 0 : i32
      %add3A_255 = arith.addi %mul3A_6, %add3A_254 : i32
      %add3A_256 = arith.constant 24 : i32
      %add3A_257 = arith.addi %add3A_255, %add3A_256 : i32
      %add3A_258 = arith.constant 61440 : i32
      %add3A_259 = arith.addi %add3A_258, %mul3A_2 : i32
      %mul3A_260 = arith.constant 8 : i32
      %mul3A_261 = arith.muli %add3A_64, %mul3A_260 : i32
      %add3A_262 = arith.addi %add3A_259, %mul3A_261 : i32
      "tpu.region"() ({
        %run_scoped3A = tpu.sem_alloc : memref<!tpu.dma_semaphore, #tpu.memory_space<semaphore_mem>>
        %dma_start3A_468 = arith.constant 0 : i32
        %dma_start3A_469 = tpu.memref_slice %arg11[%add3A_262, %dma_start3A_468] : memref<81920x128xf32, #tpu.memory_space<hbm>> -> memref<8x128xf32, #tpu.memory_space<hbm>>
        %dma_start3A_470 = arith.constant 0 : i32
        %dma_start3A_471 = tpu.memref_slice %arg15[%add3A_257, %dma_start3A_470] : memref<1024x128xf32, #tpu.memory_space<vmem_shared>> -> memref<8x128xf32, #tpu.memory_space<vmem_shared>>
        tpu.enqueue_dma source(%dma_start3A_471 : memref<8x128xf32, #tpu.memory_space<vmem_shared>>) target(%dma_start3A_469 : memref<8x128xf32, #tpu.memory_space<hbm>>) target_semaphore(%run_scoped3A : memref<!tpu.dma_semaphore, #tpu.memory_space<semaphore_mem>>)
        %dma_wait3A_472 = arith.constant 0 : i32
        %dma_wait3A_473 = tpu.memref_slice %arg11[%add3A_262, %dma_wait3A_472] : memref<81920x128xf32, #tpu.memory_space<hbm>> -> memref<8x128xf32, #tpu.memory_space<hbm>>
        %dma_wait3A_474 = arith.constant 0 : i32
        %dma_wait3A_475 = tpu.memref_slice %arg15[%add3A_257, %dma_wait3A_474] : memref<1024x128xf32, #tpu.memory_space<vmem_shared>> -> memref<8x128xf32, #tpu.memory_space<vmem_shared>>
        tpu.wait_dma2 semaphore(%run_scoped3A : memref<!tpu.dma_semaphore, #tpu.memory_space<semaphore_mem>>) src(%dma_wait3A_475 : memref<8x128xf32, #tpu.memory_space<vmem_shared>>) dst(%dma_wait3A_473 : memref<8x128xf32, #tpu.memory_space<hbm>>)
        tpu.yield
      }) : () -> ()
      %add3A_263 = arith.constant 1 : i32
      %add3A_264 = arith.addi %add3A_64, %add3A_263 : i32
      %eq3A_265 = arith.constant 0 : i32
      %eq3A_266 = arith.cmpi eq, %add3A_64, %eq3A_265 : i32
      %add3A_267 = arith.constant 32 : i32
      %add3A_268 = arith.addi %mul3A_6, %add3A_267 : i32
      %dma_start3A_269 = arith.constant 0 : i32
      %dma_start3A_270 = tpu.memref_slice %arg15[%add3A_268, %dma_start3A_269] : memref<1024x128xf32, #tpu.memory_space<vmem_shared>> -> memref<32x128xf32, #tpu.memory_space<vmem_shared>>
      %dma_start3A_271 = arith.constant 0 : i32
      %dma_start3A_272 = tpu.memref_slice %arg15[%add3A_268, %dma_start3A_271] : memref<1024x128xf32, #tpu.memory_space<vmem_shared>> -> memref<32x128xf32, #tpu.memory_space<vmem_shared>>
      tpu.enqueue_dma source(%arg16 : memref<32x128xf32, #tpu.memory_space<vmem>>) target(%dma_start3A_272 : memref<32x128xf32, #tpu.memory_space<vmem_shared>>) target_semaphore(%arg24 : memref<!tpu.dma_semaphore, #tpu.memory_space<semaphore_mem>>)
      %dma_wait3A_273 = arith.constant 0 : i32
      %dma_wait3A_274 = tpu.memref_slice %arg15[%add3A_268, %dma_wait3A_273] : memref<1024x128xf32, #tpu.memory_space<vmem_shared>> -> memref<32x128xf32, #tpu.memory_space<vmem_shared>>
      %dma_wait3A_275 = arith.constant 0 : i32
      %dma_wait3A_276 = tpu.memref_slice %arg15[%add3A_268, %dma_wait3A_275] : memref<1024x128xf32, #tpu.memory_space<vmem_shared>> -> memref<32x128xf32, #tpu.memory_space<vmem_shared>>
      tpu.wait_dma2 semaphore(%arg24 : memref<!tpu.dma_semaphore, #tpu.memory_space<semaphore_mem>>) src(%arg16 : memref<32x128xf32, #tpu.memory_space<vmem>>) dst(%dma_wait3A_276 : memref<32x128xf32, #tpu.memory_space<vmem_shared>>)
      %mul3A_277 = arith.constant 128 : i32
      %mul3A_278 = arith.muli %add3A_264, %mul3A_277 : i32
      %add3A_279 = arith.constant 0 : i32
      %add3A_280 = arith.addi %add3A_279, %mul3A_278 : i32
      %dma_wait3A_281 = arith.constant 0 : i32
      %dma_wait3A_282 = arith.constant 0 : i32
      %dma_wait3A_283 = arith.constant 0 : i32
      %dma_wait3A_284 = tpu.memref_slice %arg14[%dma_wait3A_281, %dma_wait3A_282, %dma_wait3A_283] : memref<4x128x128xf32, #tpu.memory_space<vmem>> -> memref<1x128x128xf32, #tpu.memory_space<vmem>>
      %dma_wait3A_285 = tpu.memref_squeeze %dma_wait3A_284 : memref<1x128x128xf32, #tpu.memory_space<vmem>> -> memref<128x128xf32, #tpu.memory_space<vmem>>
      %dma_wait3A_286 = tpu.memref_slice %arg12[%add3A_280] : memref<40960xi32, #tpu.memory_space<vmem>> -> memref<128xi32, #tpu.memory_space<vmem>>
      %dma_wait3A_287 = arith.constant 0 : i32
      %dma_wait3A_288 = arith.constant 0 : i32
      %dma_wait3A_289 = tpu.memref_slice %arg7[%dma_wait3A_287, %dma_wait3A_288] : memref<5001x128xf32, #tpu.memory_space<hbm>> -> memref<5001x128xf32, #tpu.memory_space<hbm>>
      tpu.wait_indirect_dma semaphore(%arg17 : memref<!tpu.dma_semaphore, #tpu.memory_space<semaphore_mem>>) src(%dma_wait3A_289 : memref<5001x128xf32, #tpu.memory_space<hbm>>) dst(%dma_wait3A_285 : memref<128x128xf32, #tpu.memory_space<vmem>>)
      %mul3A_290 = arith.constant 128 : i32
      %mul3A_291 = arith.muli %add3A_264, %mul3A_290 : i32
      %add3A_292 = arith.constant 10240 : i32
      %add3A_293 = arith.addi %add3A_292, %mul3A_291 : i32
      %dma_wait3A_294 = arith.constant 1 : i32
      %dma_wait3A_295 = arith.constant 0 : i32
      %dma_wait3A_296 = arith.constant 0 : i32
      %dma_wait3A_297 = tpu.memref_slice %arg14[%dma_wait3A_294, %dma_wait3A_295, %dma_wait3A_296] : memref<4x128x128xf32, #tpu.memory_space<vmem>> -> memref<1x128x128xf32, #tpu.memory_space<vmem>>
      %dma_wait3A_298 = tpu.memref_squeeze %dma_wait3A_297 : memref<1x128x128xf32, #tpu.memory_space<vmem>> -> memref<128x128xf32, #tpu.memory_space<vmem>>
      %dma_wait3A_299 = tpu.memref_slice %arg12[%add3A_293] : memref<40960xi32, #tpu.memory_space<vmem>> -> memref<128xi32, #tpu.memory_space<vmem>>
      %dma_wait3A_300 = arith.constant 0 : i32
      %dma_wait3A_301 = arith.constant 0 : i32
      %dma_wait3A_302 = tpu.memref_slice %arg8[%dma_wait3A_300, %dma_wait3A_301] : memref<20001x128xf32, #tpu.memory_space<hbm>> -> memref<20001x128xf32, #tpu.memory_space<hbm>>
      tpu.wait_indirect_dma semaphore(%arg17 : memref<!tpu.dma_semaphore, #tpu.memory_space<semaphore_mem>>) src(%dma_wait3A_302 : memref<20001x128xf32, #tpu.memory_space<hbm>>) dst(%dma_wait3A_298 : memref<128x128xf32, #tpu.memory_space<vmem>>)
      %mul3A_303 = arith.constant 128 : i32
      %mul3A_304 = arith.muli %add3A_264, %mul3A_303 : i32
      %add3A_305 = arith.constant 20480 : i32
      %add3A_306 = arith.addi %add3A_305, %mul3A_304 : i32
      %dma_wait3A_307 = arith.constant 2 : i32
      %dma_wait3A_308 = arith.constant 0 : i32
      %dma_wait3A_309 = arith.constant 0 : i32
      %dma_wait3A_310 = tpu.memref_slice %arg14[%dma_wait3A_307, %dma_wait3A_308, %dma_wait3A_309] : memref<4x128x128xf32, #tpu.memory_space<vmem>> -> memref<1x128x128xf32, #tpu.memory_space<vmem>>
      %dma_wait3A_311 = tpu.memref_squeeze %dma_wait3A_310 : memref<1x128x128xf32, #tpu.memory_space<vmem>> -> memref<128x128xf32, #tpu.memory_space<vmem>>
      %dma_wait3A_312 = tpu.memref_slice %arg12[%add3A_306] : memref<40960xi32, #tpu.memory_space<vmem>> -> memref<128xi32, #tpu.memory_space<vmem>>
      %dma_wait3A_313 = arith.constant 0 : i32
      %dma_wait3A_314 = arith.constant 0 : i32
      %dma_wait3A_315 = tpu.memref_slice %arg9[%dma_wait3A_313, %dma_wait3A_314] : memref<20001x128xf32, #tpu.memory_space<hbm>> -> memref<20001x128xf32, #tpu.memory_space<hbm>>
      tpu.wait_indirect_dma semaphore(%arg17 : memref<!tpu.dma_semaphore, #tpu.memory_space<semaphore_mem>>) src(%dma_wait3A_315 : memref<20001x128xf32, #tpu.memory_space<hbm>>) dst(%dma_wait3A_311 : memref<128x128xf32, #tpu.memory_space<vmem>>)
      %mul3A_316 = arith.constant 128 : i32
      %mul3A_317 = arith.muli %add3A_264, %mul3A_316 : i32
      %add3A_318 = arith.constant 30720 : i32
      %add3A_319 = arith.addi %add3A_318, %mul3A_317 : i32
      %dma_wait3A_320 = arith.constant 3 : i32
      %dma_wait3A_321 = arith.constant 0 : i32
      %dma_wait3A_322 = arith.constant 0 : i32
      %dma_wait3A_323 = tpu.memref_slice %arg14[%dma_wait3A_320, %dma_wait3A_321, %dma_wait3A_322] : memref<4x128x128xf32, #tpu.memory_space<vmem>> -> memref<1x128x128xf32, #tpu.memory_space<vmem>>
      %dma_wait3A_324 = tpu.memref_squeeze %dma_wait3A_323 : memref<1x128x128xf32, #tpu.memory_space<vmem>> -> memref<128x128xf32, #tpu.memory_space<vmem>>
      %dma_wait3A_325 = tpu.memref_slice %arg12[%add3A_319] : memref<40960xi32, #tpu.memory_space<vmem>> -> memref<128xi32, #tpu.memory_space<vmem>>
      %dma_wait3A_326 = arith.constant 0 : i32
      %dma_wait3A_327 = arith.constant 0 : i32
      %dma_wait3A_328 = tpu.memref_slice %arg10[%dma_wait3A_326, %dma_wait3A_327] : memref<20001x128xf32, #tpu.memory_space<hbm>> -> memref<20001x128xf32, #tpu.memory_space<hbm>>
      tpu.wait_indirect_dma semaphore(%arg17 : memref<!tpu.dma_semaphore, #tpu.memory_space<semaphore_mem>>) src(%dma_wait3A_328 : memref<20001x128xf32, #tpu.memory_space<hbm>>) dst(%dma_wait3A_324 : memref<128x128xf32, #tpu.memory_space<vmem>>)
      %dma_start3A_329 = arith.constant 0 : i32
      %dma_start3A_330 = arith.constant 4 : i32
      %dma_start3A_331 = arith.constant 0 : i32
      %dma_start3A_332 = arith.constant 0 : i32
      %dma_start3A_333 = tpu.memref_slice %arg14[%dma_start3A_329, %dma_start3A_331, %dma_start3A_332] : memref<4x128x128xf32, #tpu.memory_space<vmem>> -> memref<1x128x128xf32, #tpu.memory_space<vmem>>
      %dma_start3A_334 = tpu.memref_squeeze %dma_start3A_333 : memref<1x128x128xf32, #tpu.memory_space<vmem>> -> memref<128x128xf32, #tpu.memory_space<vmem>>
      %dma_start3A_335 = arith.constant 0 : i32
      %dma_start3A_336 = tpu.memref_slice %arg13[%dma_start3A_330, %dma_start3A_335] : memref<8x128xi32, #tpu.memory_space<vmem>> -> memref<1x128xi32, #tpu.memory_space<vmem>>
      %dma_start3A_337 = tpu.memref_squeeze %dma_start3A_336 : memref<1x128xi32, #tpu.memory_space<vmem>> -> memref<128xi32, #tpu.memory_space<vmem>>
      %dma_start3A_338 = arith.constant 0 : i32
      %dma_start3A_339 = arith.constant 0 : i32
      %dma_start3A_340 = tpu.memref_slice %arg15[%dma_start3A_338, %dma_start3A_339] : memref<1024x128xf32, #tpu.memory_space<vmem_shared>> -> memref<1024x128xf32, #tpu.memory_space<vmem_shared>>
      tpu.enqueue_indirect_dma source(%dma_start3A_334 : memref<128x128xf32, #tpu.memory_space<vmem>>) target(%dma_start3A_340 : memref<1024x128xf32, #tpu.memory_space<vmem_shared>>) offsets(%dma_start3A_337 : memref<128xi32, #tpu.memory_space<vmem>>) semaphore(%arg20 : memref<!tpu.dma_semaphore, #tpu.memory_space<semaphore_mem>>) {add = true}
      %dma_start3A_341 = arith.constant 1 : i32
      %dma_start3A_342 = arith.constant 5 : i32
      %dma_start3A_343 = arith.constant 0 : i32
      %dma_start3A_344 = arith.constant 0 : i32
      %dma_start3A_345 = tpu.memref_slice %arg14[%dma_start3A_341, %dma_start3A_343, %dma_start3A_344] : memref<4x128x128xf32, #tpu.memory_space<vmem>> -> memref<1x128x128xf32, #tpu.memory_space<vmem>>
      %dma_start3A_346 = tpu.memref_squeeze %dma_start3A_345 : memref<1x128x128xf32, #tpu.memory_space<vmem>> -> memref<128x128xf32, #tpu.memory_space<vmem>>
      %dma_start3A_347 = arith.constant 0 : i32
      %dma_start3A_348 = tpu.memref_slice %arg13[%dma_start3A_342, %dma_start3A_347] : memref<8x128xi32, #tpu.memory_space<vmem>> -> memref<1x128xi32, #tpu.memory_space<vmem>>
      %dma_start3A_349 = tpu.memref_squeeze %dma_start3A_348 : memref<1x128xi32, #tpu.memory_space<vmem>> -> memref<128xi32, #tpu.memory_space<vmem>>
      %dma_start3A_350 = arith.constant 0 : i32
      %dma_start3A_351 = arith.constant 0 : i32
      %dma_start3A_352 = tpu.memref_slice %arg15[%dma_start3A_350, %dma_start3A_351] : memref<1024x128xf32, #tpu.memory_space<vmem_shared>> -> memref<1024x128xf32, #tpu.memory_space<vmem_shared>>
      tpu.enqueue_indirect_dma source(%dma_start3A_346 : memref<128x128xf32, #tpu.memory_space<vmem>>) target(%dma_start3A_352 : memref<1024x128xf32, #tpu.memory_space<vmem_shared>>) offsets(%dma_start3A_349 : memref<128xi32, #tpu.memory_space<vmem>>) semaphore(%arg20 : memref<!tpu.dma_semaphore, #tpu.memory_space<semaphore_mem>>) {add = true}
      %dma_start3A_353 = arith.constant 2 : i32
      %dma_start3A_354 = arith.constant 6 : i32
      %dma_start3A_355 = arith.constant 0 : i32
      %dma_start3A_356 = arith.constant 0 : i32
      %dma_start3A_357 = tpu.memref_slice %arg14[%dma_start3A_353, %dma_start3A_355, %dma_start3A_356] : memref<4x128x128xf32, #tpu.memory_space<vmem>> -> memref<1x128x128xf32, #tpu.memory_space<vmem>>
      %dma_start3A_358 = tpu.memref_squeeze %dma_start3A_357 : memref<1x128x128xf32, #tpu.memory_space<vmem>> -> memref<128x128xf32, #tpu.memory_space<vmem>>
      %dma_start3A_359 = arith.constant 0 : i32
      %dma_start3A_360 = tpu.memref_slice %arg13[%dma_start3A_354, %dma_start3A_359] : memref<8x128xi32, #tpu.memory_space<vmem>> -> memref<1x128xi32, #tpu.memory_space<vmem>>
      %dma_start3A_361 = tpu.memref_squeeze %dma_start3A_360 : memref<1x128xi32, #tpu.memory_space<vmem>> -> memref<128xi32, #tpu.memory_space<vmem>>
      %dma_start3A_362 = arith.constant 0 : i32
      %dma_start3A_363 = arith.constant 0 : i32
      %dma_start3A_364 = tpu.memref_slice %arg15[%dma_start3A_362, %dma_start3A_363] : memref<1024x128xf32, #tpu.memory_space<vmem_shared>> -> memref<1024x128xf32, #tpu.memory_space<vmem_shared>>
      tpu.enqueue_indirect_dma source(%dma_start3A_358 : memref<128x128xf32, #tpu.memory_space<vmem>>) target(%dma_start3A_364 : memref<1024x128xf32, #tpu.memory_space<vmem_shared>>) offsets(%dma_start3A_361 : memref<128xi32, #tpu.memory_space<vmem>>) semaphore(%arg20 : memref<!tpu.dma_semaphore, #tpu.memory_space<semaphore_mem>>) {add = true}
      %dma_start3A_365 = arith.constant 3 : i32
      %dma_start3A_366 = arith.constant 7 : i32
      %dma_start3A_367 = arith.constant 0 : i32
      %dma_start3A_368 = arith.constant 0 : i32
      %dma_start3A_369 = tpu.memref_slice %arg14[%dma_start3A_365, %dma_start3A_367, %dma_start3A_368] : memref<4x128x128xf32, #tpu.memory_space<vmem>> -> memref<1x128x128xf32, #tpu.memory_space<vmem>>
      %dma_start3A_370 = tpu.memref_squeeze %dma_start3A_369 : memref<1x128x128xf32, #tpu.memory_space<vmem>> -> memref<128x128xf32, #tpu.memory_space<vmem>>
      %dma_start3A_371 = arith.constant 0 : i32
      %dma_start3A_372 = tpu.memref_slice %arg13[%dma_start3A_366, %dma_start3A_371] : memref<8x128xi32, #tpu.memory_space<vmem>> -> memref<1x128xi32, #tpu.memory_space<vmem>>
      %dma_start3A_373 = tpu.memref_squeeze %dma_start3A_372 : memref<1x128xi32, #tpu.memory_space<vmem>> -> memref<128xi32, #tpu.memory_space<vmem>>
      %dma_start3A_374 = arith.constant 0 : i32
      %dma_start3A_375 = arith.constant 0 : i32
      %dma_start3A_376 = tpu.memref_slice %arg15[%dma_start3A_374, %dma_start3A_375] : memref<1024x128xf32, #tpu.memory_space<vmem_shared>> -> memref<1024x128xf32, #tpu.memory_space<vmem_shared>>
      tpu.enqueue_indirect_dma source(%dma_start3A_370 : memref<128x128xf32, #tpu.memory_space<vmem>>) target(%dma_start3A_376 : memref<1024x128xf32, #tpu.memory_space<vmem_shared>>) offsets(%dma_start3A_373 : memref<128xi32, #tpu.memory_space<vmem>>) semaphore(%arg20 : memref<!tpu.dma_semaphore, #tpu.memory_space<semaphore_mem>>) {add = true}
      %dma_wait3A_377 = arith.constant 0 : i32
      %dma_wait3A_378 = arith.constant 4 : i32
      %dma_wait3A_379 = arith.constant 0 : i32
      %dma_wait3A_380 = arith.constant 0 : i32
      %dma_wait3A_381 = tpu.memref_slice %arg14[%dma_wait3A_377, %dma_wait3A_379, %dma_wait3A_380] : memref<4x128x128xf32, #tpu.memory_space<vmem>> -> memref<1x128x128xf32, #tpu.memory_space<vmem>>
      %dma_wait3A_382 = tpu.memref_squeeze %dma_wait3A_381 : memref<1x128x128xf32, #tpu.memory_space<vmem>> -> memref<128x128xf32, #tpu.memory_space<vmem>>
      %dma_wait3A_383 = arith.constant 0 : i32
      %dma_wait3A_384 = tpu.memref_slice %arg13[%dma_wait3A_378, %dma_wait3A_383] : memref<8x128xi32, #tpu.memory_space<vmem>> -> memref<1x128xi32, #tpu.memory_space<vmem>>
      %dma_wait3A_385 = tpu.memref_squeeze %dma_wait3A_384 : memref<1x128xi32, #tpu.memory_space<vmem>> -> memref<128xi32, #tpu.memory_space<vmem>>
      %dma_wait3A_386 = arith.constant 0 : i32
      %dma_wait3A_387 = arith.constant 0 : i32
      %dma_wait3A_388 = tpu.memref_slice %arg15[%dma_wait3A_386, %dma_wait3A_387] : memref<1024x128xf32, #tpu.memory_space<vmem_shared>> -> memref<1024x128xf32, #tpu.memory_space<vmem_shared>>
      tpu.wait_indirect_dma semaphore(%arg20 : memref<!tpu.dma_semaphore, #tpu.memory_space<semaphore_mem>>) src(%dma_wait3A_382 : memref<128x128xf32, #tpu.memory_space<vmem>>) dst(%dma_wait3A_388 : memref<1024x128xf32, #tpu.memory_space<vmem_shared>>)
      %dma_wait3A_389 = arith.constant 1 : i32
      %dma_wait3A_390 = arith.constant 5 : i32
      %dma_wait3A_391 = arith.constant 0 : i32
      %dma_wait3A_392 = arith.constant 0 : i32
      %dma_wait3A_393 = tpu.memref_slice %arg14[%dma_wait3A_389, %dma_wait3A_391, %dma_wait3A_392] : memref<4x128x128xf32, #tpu.memory_space<vmem>> -> memref<1x128x128xf32, #tpu.memory_space<vmem>>
      %dma_wait3A_394 = tpu.memref_squeeze %dma_wait3A_393 : memref<1x128x128xf32, #tpu.memory_space<vmem>> -> memref<128x128xf32, #tpu.memory_space<vmem>>
      %dma_wait3A_395 = arith.constant 0 : i32
      %dma_wait3A_396 = tpu.memref_slice %arg13[%dma_wait3A_390, %dma_wait3A_395] : memref<8x128xi32, #tpu.memory_space<vmem>> -> memref<1x128xi32, #tpu.memory_space<vmem>>
      %dma_wait3A_397 = tpu.memref_squeeze %dma_wait3A_396 : memref<1x128xi32, #tpu.memory_space<vmem>> -> memref<128xi32, #tpu.memory_space<vmem>>
      %dma_wait3A_398 = arith.constant 0 : i32
      %dma_wait3A_399 = arith.constant 0 : i32
      %dma_wait3A_400 = tpu.memref_slice %arg15[%dma_wait3A_398, %dma_wait3A_399] : memref<1024x128xf32, #tpu.memory_space<vmem_shared>> -> memref<1024x128xf32, #tpu.memory_space<vmem_shared>>
      tpu.wait_indirect_dma semaphore(%arg20 : memref<!tpu.dma_semaphore, #tpu.memory_space<semaphore_mem>>) src(%dma_wait3A_394 : memref<128x128xf32, #tpu.memory_space<vmem>>) dst(%dma_wait3A_400 : memref<1024x128xf32, #tpu.memory_space<vmem_shared>>)
      %dma_wait3A_401 = arith.constant 2 : i32
      %dma_wait3A_402 = arith.constant 6 : i32
      %dma_wait3A_403 = arith.constant 0 : i32
      %dma_wait3A_404 = arith.constant 0 : i32
      %dma_wait3A_405 = tpu.memref_slice %arg14[%dma_wait3A_401, %dma_wait3A_403, %dma_wait3A_404] : memref<4x128x128xf32, #tpu.memory_space<vmem>> -> memref<1x128x128xf32, #tpu.memory_space<vmem>>
      %dma_wait3A_406 = tpu.memref_squeeze %dma_wait3A_405 : memref<1x128x128xf32, #tpu.memory_space<vmem>> -> memref<128x128xf32, #tpu.memory_space<vmem>>
      %dma_wait3A_407 = arith.constant 0 : i32
      %dma_wait3A_408 = tpu.memref_slice %arg13[%dma_wait3A_402, %dma_wait3A_407] : memref<8x128xi32, #tpu.memory_space<vmem>> -> memref<1x128xi32, #tpu.memory_space<vmem>>
      %dma_wait3A_409 = tpu.memref_squeeze %dma_wait3A_408 : memref<1x128xi32, #tpu.memory_space<vmem>> -> memref<128xi32, #tpu.memory_space<vmem>>
      %dma_wait3A_410 = arith.constant 0 : i32
      %dma_wait3A_411 = arith.constant 0 : i32
      %dma_wait3A_412 = tpu.memref_slice %arg15[%dma_wait3A_410, %dma_wait3A_411] : memref<1024x128xf32, #tpu.memory_space<vmem_shared>> -> memref<1024x128xf32, #tpu.memory_space<vmem_shared>>
      tpu.wait_indirect_dma semaphore(%arg20 : memref<!tpu.dma_semaphore, #tpu.memory_space<semaphore_mem>>) src(%dma_wait3A_406 : memref<128x128xf32, #tpu.memory_space<vmem>>) dst(%dma_wait3A_412 : memref<1024x128xf32, #tpu.memory_space<vmem_shared>>)
      %dma_wait3A_413 = arith.constant 3 : i32
      %dma_wait3A_414 = arith.constant 7 : i32
      %dma_wait3A_415 = arith.constant 0 : i32
      %dma_wait3A_416 = arith.constant 0 : i32
      %dma_wait3A_417 = tpu.memref_slice %arg14[%dma_wait3A_413, %dma_wait3A_415, %dma_wait3A_416] : memref<4x128x128xf32, #tpu.memory_space<vmem>> -> memref<1x128x128xf32, #tpu.memory_space<vmem>>
      %dma_wait3A_418 = tpu.memref_squeeze %dma_wait3A_417 : memref<1x128x128xf32, #tpu.memory_space<vmem>> -> memref<128x128xf32, #tpu.memory_space<vmem>>
      %dma_wait3A_419 = arith.constant 0 : i32
      %dma_wait3A_420 = tpu.memref_slice %arg13[%dma_wait3A_414, %dma_wait3A_419] : memref<8x128xi32, #tpu.memory_space<vmem>> -> memref<1x128xi32, #tpu.memory_space<vmem>>
      %dma_wait3A_421 = tpu.memref_squeeze %dma_wait3A_420 : memref<1x128xi32, #tpu.memory_space<vmem>> -> memref<128xi32, #tpu.memory_space<vmem>>
      %dma_wait3A_422 = arith.constant 0 : i32
      %dma_wait3A_423 = arith.constant 0 : i32
      %dma_wait3A_424 = tpu.memref_slice %arg15[%dma_wait3A_422, %dma_wait3A_423] : memref<1024x128xf32, #tpu.memory_space<vmem_shared>> -> memref<1024x128xf32, #tpu.memory_space<vmem_shared>>
      tpu.wait_indirect_dma semaphore(%arg20 : memref<!tpu.dma_semaphore, #tpu.memory_space<semaphore_mem>>) src(%dma_wait3A_418 : memref<128x128xf32, #tpu.memory_space<vmem>>) dst(%dma_wait3A_424 : memref<1024x128xf32, #tpu.memory_space<vmem_shared>>)
      %add3A_425 = arith.constant 1 : i32
      %add3A_426 = arith.addi %add3A_264, %add3A_425 : i32
      %lt3A_427 = arith.constant 80 : i32
      %lt3A_428 = arith.cmpi slt, %add3A_426, %lt3A_427 : i32
      %convert_element_type3A_429 = arith.extui %lt3A_428 : i1 to i32
      %cond3A_430 = arith.constant 0 : i32
      %cond3A_431 = arith.cmpi ne, %convert_element_type3A_429, %cond3A_430 : i32
      scf.if %cond3A_431 {
        %add3A_468 = arith.constant 1 : i32
        %add3A_469 = arith.addi %add3A_264, %add3A_468 : i32
        %mul3A_470 = arith.constant 128 : i32
        %mul3A_471 = arith.muli %add3A_469, %mul3A_470 : i32
        %add3A_472 = arith.constant 0 : i32
        %add3A_473 = arith.addi %add3A_472, %mul3A_471 : i32
        %dma_start3A_474 = arith.constant 0 : i32
        %dma_start3A_475 = arith.constant 0 : i32
        %dma_start3A_476 = arith.constant 0 : i32
        %dma_start3A_477 = tpu.memref_slice %arg14[%dma_start3A_474, %dma_start3A_475, %dma_start3A_476] : memref<4x128x128xf32, #tpu.memory_space<vmem>> -> memref<1x128x128xf32, #tpu.memory_space<vmem>>
        %dma_start3A_478 = tpu.memref_squeeze %dma_start3A_477 : memref<1x128x128xf32, #tpu.memory_space<vmem>> -> memref<128x128xf32, #tpu.memory_space<vmem>>
        %dma_start3A_479 = tpu.memref_slice %arg12[%add3A_473] : memref<40960xi32, #tpu.memory_space<vmem>> -> memref<128xi32, #tpu.memory_space<vmem>>
        %dma_start3A_480 = arith.constant 0 : i32
        %dma_start3A_481 = arith.constant 0 : i32
        %dma_start3A_482 = tpu.memref_slice %arg7[%dma_start3A_480, %dma_start3A_481] : memref<5001x128xf32, #tpu.memory_space<hbm>> -> memref<5001x128xf32, #tpu.memory_space<hbm>>
        tpu.enqueue_indirect_dma source(%dma_start3A_482 : memref<5001x128xf32, #tpu.memory_space<hbm>>) target(%dma_start3A_478 : memref<128x128xf32, #tpu.memory_space<vmem>>) offsets(%dma_start3A_479 : memref<128xi32, #tpu.memory_space<vmem>>) semaphore(%arg17 : memref<!tpu.dma_semaphore, #tpu.memory_space<semaphore_mem>>)
        %mul3A_483 = arith.constant 128 : i32
        %mul3A_484 = arith.muli %add3A_469, %mul3A_483 : i32
        %add3A_485 = arith.constant 10240 : i32
        %add3A_486 = arith.addi %add3A_485, %mul3A_484 : i32
        %dma_start3A_487 = arith.constant 1 : i32
        %dma_start3A_488 = arith.constant 0 : i32
        %dma_start3A_489 = arith.constant 0 : i32
        %dma_start3A_490 = tpu.memref_slice %arg14[%dma_start3A_487, %dma_start3A_488, %dma_start3A_489] : memref<4x128x128xf32, #tpu.memory_space<vmem>> -> memref<1x128x128xf32, #tpu.memory_space<vmem>>
        %dma_start3A_491 = tpu.memref_squeeze %dma_start3A_490 : memref<1x128x128xf32, #tpu.memory_space<vmem>> -> memref<128x128xf32, #tpu.memory_space<vmem>>
        %dma_start3A_492 = tpu.memref_slice %arg12[%add3A_486] : memref<40960xi32, #tpu.memory_space<vmem>> -> memref<128xi32, #tpu.memory_space<vmem>>
        %dma_start3A_493 = arith.constant 0 : i32
        %dma_start3A_494 = arith.constant 0 : i32
        %dma_start3A_495 = tpu.memref_slice %arg8[%dma_start3A_493, %dma_start3A_494] : memref<20001x128xf32, #tpu.memory_space<hbm>> -> memref<20001x128xf32, #tpu.memory_space<hbm>>
        tpu.enqueue_indirect_dma source(%dma_start3A_495 : memref<20001x128xf32, #tpu.memory_space<hbm>>) target(%dma_start3A_491 : memref<128x128xf32, #tpu.memory_space<vmem>>) offsets(%dma_start3A_492 : memref<128xi32, #tpu.memory_space<vmem>>) semaphore(%arg17 : memref<!tpu.dma_semaphore, #tpu.memory_space<semaphore_mem>>)
        %mul3A_496 = arith.constant 128 : i32
        %mul3A_497 = arith.muli %add3A_469, %mul3A_496 : i32
        %add3A_498 = arith.constant 20480 : i32
        %add3A_499 = arith.addi %add3A_498, %mul3A_497 : i32
        %dma_start3A_500 = arith.constant 2 : i32
        %dma_start3A_501 = arith.constant 0 : i32
        %dma_start3A_502 = arith.constant 0 : i32
        %dma_start3A_503 = tpu.memref_slice %arg14[%dma_start3A_500, %dma_start3A_501, %dma_start3A_502] : memref<4x128x128xf32, #tpu.memory_space<vmem>> -> memref<1x128x128xf32, #tpu.memory_space<vmem>>
        %dma_start3A_504 = tpu.memref_squeeze %dma_start3A_503 : memref<1x128x128xf32, #tpu.memory_space<vmem>> -> memref<128x128xf32, #tpu.memory_space<vmem>>
        %dma_start3A_505 = tpu.memref_slice %arg12[%add3A_499] : memref<40960xi32, #tpu.memory_space<vmem>> -> memref<128xi32, #tpu.memory_space<vmem>>
        %dma_start3A_506 = arith.constant 0 : i32
        %dma_start3A_507 = arith.constant 0 : i32
        %dma_start3A_508 = tpu.memref_slice %arg9[%dma_start3A_506, %dma_start3A_507] : memref<20001x128xf32, #tpu.memory_space<hbm>> -> memref<20001x128xf32, #tpu.memory_space<hbm>>
        tpu.enqueue_indirect_dma source(%dma_start3A_508 : memref<20001x128xf32, #tpu.memory_space<hbm>>) target(%dma_start3A_504 : memref<128x128xf32, #tpu.memory_space<vmem>>) offsets(%dma_start3A_505 : memref<128xi32, #tpu.memory_space<vmem>>) semaphore(%arg17 : memref<!tpu.dma_semaphore, #tpu.memory_space<semaphore_mem>>)
        %mul3A_509 = arith.constant 128 : i32
        %mul3A_510 = arith.muli %add3A_469, %mul3A_509 : i32
        %add3A_511 = arith.constant 30720 : i32
        %add3A_512 = arith.addi %add3A_511, %mul3A_510 : i32
        %dma_start3A_513 = arith.constant 3 : i32
        %dma_start3A_514 = arith.constant 0 : i32
        %dma_start3A_515 = arith.constant 0 : i32
        %dma_start3A_516 = tpu.memref_slice %arg14[%dma_start3A_513, %dma_start3A_514, %dma_start3A_515] : memref<4x128x128xf32, #tpu.memory_space<vmem>> -> memref<1x128x128xf32, #tpu.memory_space<vmem>>
        %dma_start3A_517 = tpu.memref_squeeze %dma_start3A_516 : memref<1x128x128xf32, #tpu.memory_space<vmem>> -> memref<128x128xf32, #tpu.memory_space<vmem>>
        %dma_start3A_518 = tpu.memref_slice %arg12[%add3A_512] : memref<40960xi32, #tpu.memory_space<vmem>> -> memref<128xi32, #tpu.memory_space<vmem>>
        %dma_start3A_519 = arith.constant 0 : i32
        %dma_start3A_520 = arith.constant 0 : i32
        %dma_start3A_521 = tpu.memref_slice %arg10[%dma_start3A_519, %dma_start3A_520] : memref<20001x128xf32, #tpu.memory_space<hbm>> -> memref<20001x128xf32, #tpu.memory_space<hbm>>
        tpu.enqueue_indirect_dma source(%dma_start3A_521 : memref<20001x128xf32, #tpu.memory_space<hbm>>) target(%dma_start3A_517 : memref<128x128xf32, #tpu.memory_space<vmem>>) offsets(%dma_start3A_518 : memref<128xi32, #tpu.memory_space<vmem>>) semaphore(%arg17 : memref<!tpu.dma_semaphore, #tpu.memory_space<semaphore_mem>>)
      } else {
      }
      %add3A_432 = arith.constant 32 : i32
      %add3A_433 = arith.addi %mul3A_6, %add3A_432 : i32
      %add3A_434 = arith.constant 0 : i32
      %add3A_435 = arith.addi %add3A_433, %add3A_434 : i32
      %add3A_436 = arith.constant 0 : i32
      %add3A_437 = arith.addi %add3A_436, %mul3A_2 : i32
      %mul3A_438 = arith.constant 8 : i32
      %mul3A_439 = arith.muli %add3A_264, %mul3A_438 : i32
      %add3A_440 = arith.addi %add3A_437, %mul3A_439 : i32
      "tpu.region"() ({
        %run_scoped3A = tpu.sem_alloc : memref<!tpu.dma_semaphore, #tpu.memory_space<semaphore_mem>>
        %dma_start3A_468 = arith.constant 0 : i32
        %dma_start3A_469 = tpu.memref_slice %arg11[%add3A_440, %dma_start3A_468] : memref<81920x128xf32, #tpu.memory_space<hbm>> -> memref<8x128xf32, #tpu.memory_space<hbm>>
        %dma_start3A_470 = arith.constant 0 : i32
        %dma_start3A_471 = tpu.memref_slice %arg15[%add3A_435, %dma_start3A_470] : memref<1024x128xf32, #tpu.memory_space<vmem_shared>> -> memref<8x128xf32, #tpu.memory_space<vmem_shared>>
        tpu.enqueue_dma source(%dma_start3A_471 : memref<8x128xf32, #tpu.memory_space<vmem_shared>>) target(%dma_start3A_469 : memref<8x128xf32, #tpu.memory_space<hbm>>) target_semaphore(%run_scoped3A : memref<!tpu.dma_semaphore, #tpu.memory_space<semaphore_mem>>)
        %dma_wait3A_472 = arith.constant 0 : i32
        %dma_wait3A_473 = tpu.memref_slice %arg11[%add3A_440, %dma_wait3A_472] : memref<81920x128xf32, #tpu.memory_space<hbm>> -> memref<8x128xf32, #tpu.memory_space<hbm>>
        %dma_wait3A_474 = arith.constant 0 : i32
        %dma_wait3A_475 = tpu.memref_slice %arg15[%add3A_435, %dma_wait3A_474] : memref<1024x128xf32, #tpu.memory_space<vmem_shared>> -> memref<8x128xf32, #tpu.memory_space<vmem_shared>>
        tpu.wait_dma2 semaphore(%run_scoped3A : memref<!tpu.dma_semaphore, #tpu.memory_space<semaphore_mem>>) src(%dma_wait3A_475 : memref<8x128xf32, #tpu.memory_space<vmem_shared>>) dst(%dma_wait3A_473 : memref<8x128xf32, #tpu.memory_space<hbm>>)
        tpu.yield
      }) : () -> ()
      %add3A_441 = arith.constant 32 : i32
      %add3A_442 = arith.addi %mul3A_6, %add3A_441 : i32
      %add3A_443 = arith.constant 8 : i32
      %add3A_444 = arith.addi %add3A_442, %add3A_443 : i32
      %add3A_445 = arith.constant 20480 : i32
      %add3A_446 = arith.addi %add3A_445, %mul3A_2 : i32
      %mul3A_447 = arith.constant 8 : i32
      %mul3A_448 = arith.muli %add3A_264, %mul3A_447 : i32
      %add3A_449 = arith.addi %add3A_446, %mul3A_448 : i32
      "tpu.region"() ({
        %run_scoped3A = tpu.sem_alloc : memref<!tpu.dma_semaphore, #tpu.memory_space<semaphore_mem>>
        %dma_start3A_468 = arith.constant 0 : i32
        %dma_start3A_469 = tpu.memref_slice %arg11[%add3A_449, %dma_start3A_468] : memref<81920x128xf32, #tpu.memory_space<hbm>> -> memref<8x128xf32, #tpu.memory_space<hbm>>
        %dma_start3A_470 = arith.constant 0 : i32
        %dma_start3A_471 = tpu.memref_slice %arg15[%add3A_444, %dma_start3A_470] : memref<1024x128xf32, #tpu.memory_space<vmem_shared>> -> memref<8x128xf32, #tpu.memory_space<vmem_shared>>
        tpu.enqueue_dma source(%dma_start3A_471 : memref<8x128xf32, #tpu.memory_space<vmem_shared>>) target(%dma_start3A_469 : memref<8x128xf32, #tpu.memory_space<hbm>>) target_semaphore(%run_scoped3A : memref<!tpu.dma_semaphore, #tpu.memory_space<semaphore_mem>>)
        %dma_wait3A_472 = arith.constant 0 : i32
        %dma_wait3A_473 = tpu.memref_slice %arg11[%add3A_449, %dma_wait3A_472] : memref<81920x128xf32, #tpu.memory_space<hbm>> -> memref<8x128xf32, #tpu.memory_space<hbm>>
        %dma_wait3A_474 = arith.constant 0 : i32
        %dma_wait3A_475 = tpu.memref_slice %arg15[%add3A_444, %dma_wait3A_474] : memref<1024x128xf32, #tpu.memory_space<vmem_shared>> -> memref<8x128xf32, #tpu.memory_space<vmem_shared>>
        tpu.wait_dma2 semaphore(%run_scoped3A : memref<!tpu.dma_semaphore, #tpu.memory_space<semaphore_mem>>) src(%dma_wait3A_475 : memref<8x128xf32, #tpu.memory_space<vmem_shared>>) dst(%dma_wait3A_473 : memref<8x128xf32, #tpu.memory_space<hbm>>)
        tpu.yield
      }) : () -> ()
      %add3A_450 = arith.constant 32 : i32
      %add3A_451 = arith.addi %mul3A_6, %add3A_450 : i32
      %add3A_452 = arith.constant 16 : i32
      %add3A_453 = arith.addi %add3A_451, %add3A_452 : i32
      %add3A_454 = arith.constant 40960 : i32
      %add3A_455 = arith.addi %add3A_454, %mul3A_2 : i32
      %mul3A_456 = arith.constant 8 : i32
      %mul3A_457 = arith.muli %add3A_264, %mul3A_456 : i32
      %add3A_458 = arith.addi %add3A_455, %mul3A_457 : i32
      "tpu.region"() ({
        %run_scoped3A = tpu.sem_alloc : memref<!tpu.dma_semaphore, #tpu.memory_space<semaphore_mem>>
        %dma_start3A_468 = arith.constant 0 : i32
        %dma_start3A_469 = tpu.memref_slice %arg11[%add3A_458, %dma_start3A_468] : memref<81920x128xf32, #tpu.memory_space<hbm>> -> memref<8x128xf32, #tpu.memory_space<hbm>>
        %dma_start3A_470 = arith.constant 0 : i32
        %dma_start3A_471 = tpu.memref_slice %arg15[%add3A_453, %dma_start3A_470] : memref<1024x128xf32, #tpu.memory_space<vmem_shared>> -> memref<8x128xf32, #tpu.memory_space<vmem_shared>>
        tpu.enqueue_dma source(%dma_start3A_471 : memref<8x128xf32, #tpu.memory_space<vmem_shared>>) target(%dma_start3A_469 : memref<8x128xf32, #tpu.memory_space<hbm>>) target_semaphore(%run_scoped3A : memref<!tpu.dma_semaphore, #tpu.memory_space<semaphore_mem>>)
        %dma_wait3A_472 = arith.constant 0 : i32
        %dma_wait3A_473 = tpu.memref_slice %arg11[%add3A_458, %dma_wait3A_472] : memref<81920x128xf32, #tpu.memory_space<hbm>> -> memref<8x128xf32, #tpu.memory_space<hbm>>
        %dma_wait3A_474 = arith.constant 0 : i32
        %dma_wait3A_475 = tpu.memref_slice %arg15[%add3A_453, %dma_wait3A_474] : memref<1024x128xf32, #tpu.memory_space<vmem_shared>> -> memref<8x128xf32, #tpu.memory_space<vmem_shared>>
        tpu.wait_dma2 semaphore(%run_scoped3A : memref<!tpu.dma_semaphore, #tpu.memory_space<semaphore_mem>>) src(%dma_wait3A_475 : memref<8x128xf32, #tpu.memory_space<vmem_shared>>) dst(%dma_wait3A_473 : memref<8x128xf32, #tpu.memory_space<hbm>>)
        tpu.yield
      }) : () -> ()
      %add3A_459 = arith.constant 32 : i32
      %add3A_460 = arith.addi %mul3A_6, %add3A_459 : i32
      %add3A_461 = arith.constant 24 : i32
      %add3A_462 = arith.addi %add3A_460, %add3A_461 : i32
      %add3A_463 = arith.constant 61440 : i32
      %add3A_464 = arith.addi %add3A_463, %mul3A_2 : i32
      %mul3A_465 = arith.constant 8 : i32
      %mul3A_466 = arith.muli %add3A_264, %mul3A_465 : i32
      %add3A_467 = arith.addi %add3A_464, %mul3A_466 : i32
      "tpu.region"() ({
        %run_scoped3A = tpu.sem_alloc : memref<!tpu.dma_semaphore, #tpu.memory_space<semaphore_mem>>
        %dma_start3A_468 = arith.constant 0 : i32
        %dma_start3A_469 = tpu.memref_slice %arg11[%add3A_467, %dma_start3A_468] : memref<81920x128xf32, #tpu.memory_space<hbm>> -> memref<8x128xf32, #tpu.memory_space<hbm>>
        %dma_start3A_470 = arith.constant 0 : i32
        %dma_start3A_471 = tpu.memref_slice %arg15[%add3A_462, %dma_start3A_470] : memref<1024x128xf32, #tpu.memory_space<vmem_shared>> -> memref<8x128xf32, #tpu.memory_space<vmem_shared>>
        tpu.enqueue_dma source(%dma_start3A_471 : memref<8x128xf32, #tpu.memory_space<vmem_shared>>) target(%dma_start3A_469 : memref<8x128xf32, #tpu.memory_space<hbm>>) target_semaphore(%run_scoped3A : memref<!tpu.dma_semaphore, #tpu.memory_space<semaphore_mem>>)
        %dma_wait3A_472 = arith.constant 0 : i32
        %dma_wait3A_473 = tpu.memref_slice %arg11[%add3A_467, %dma_wait3A_472] : memref<81920x128xf32, #tpu.memory_space<hbm>> -> memref<8x128xf32, #tpu.memory_space<hbm>>
        %dma_wait3A_474 = arith.constant 0 : i32
        %dma_wait3A_475 = tpu.memref_slice %arg15[%add3A_462, %dma_wait3A_474] : memref<1024x128xf32, #tpu.memory_space<vmem_shared>> -> memref<8x128xf32, #tpu.memory_space<vmem_shared>>
        tpu.wait_dma2 semaphore(%run_scoped3A : memref<!tpu.dma_semaphore, #tpu.memory_space<semaphore_mem>>) src(%dma_wait3A_475 : memref<8x128xf32, #tpu.memory_space<vmem_shared>>) dst(%dma_wait3A_473 : memref<8x128xf32, #tpu.memory_space<hbm>>)
        tpu.yield
      }) : () -> ()
    }
    %scan3A_59 = arith.constant 40 : i32
    return
  }
}

module attributes {stable_mosaic.version = 14 : i64} {
  func.func @body(%arg0: i32, %arg1: i32, %arg2: memref<4x2048x128xf32, #tpu.memory_space<vmem>>, %arg3: memref<4x128x256xbf16, #tpu.memory_space<vmem>>, %arg4: memref<256xf32, #tpu.memory_space<vmem>>, %arg5: memref<512x256xbf16, #tpu.memory_space<vmem>>, %arg6: memref<512xf32, #tpu.memory_space<vmem>>, %arg7: memref<2x512x1024xf32, #tpu.memory_space<vmem>>, %arg8: memref<256x2048xbf16, #tpu.memory_space<vmem>>) attributes {dimension_semantics = [#tpu.dimension_semantics<arbitrary>, #tpu.dimension_semantics<arbitrary>], iteration_bounds = array<i64: 10, 10>, scalar_prefetch = 0 : i64, scratch_operands = 1 : i64, tpu.core_type = #tpu.core_type<tc>, window_params = [{transform_indices = @transform_0, window_bounds = array<i64: 4, 2048, 128>}, {pipeline_mode = #tpu.pipeline_mode<synchronous>, transform_indices = @transform_1, window_bounds = array<i64: 4, 128, 256>}, {pipeline_mode = #tpu.pipeline_mode<synchronous>, transform_indices = @transform_2, window_bounds = array<i64: 256>}, {transform_indices = @transform_3, window_bounds = array<i64: 512, 256>}, {transform_indices = @transform_4, window_bounds = array<i64: 512>}, {transform_indices = @transform_5, window_bounds = array<i64: 2, 512, 1024>}]} {
    %eq3A = arith.constant 0 : i32
    %eq3A_0 = arith.cmpi eq, %arg1, %eq3A : i32
    %convert_element_type3A = arith.extui %eq3A_0 : i1 to i32
    %cond3A = arith.constant 0 : i32
    %cond3A_1 = arith.cmpi ne, %convert_element_type3A, %cond3A : i32
    scf.if %cond3A_1 {
      %broadcast_in_dim3A_35 = arith.constant 0.000000e+00 : f32
      %broadcast_in_dim3A_36 = vector.broadcast %broadcast_in_dim3A_35 : f32 to vector<2048x256xf32>
      %get3A_37 = arith.constant 0 : index
      %get3A_38 = arith.constant 0 : index
      %get3A_39 = arith.constant 0 : index
      %get3A_40 = vector.load %arg2[%get3A_37, %get3A_38, %get3A_39] : memref<4x2048x128xf32, #tpu.memory_space<vmem>>, vector<1x2048x128xf32>
      %get3A_41 = vector.shape_cast %get3A_40 : vector<1x2048x128xf32> to vector<2048x128xf32>
      %convert_element_type3A_42 = arith.truncf %get3A_41 : vector<2048x128xf32> to vector<2048x128xbf16>
      %get3A_43 = arith.constant 0 : index
      %get3A_44 = arith.constant 0 : index
      %get3A_45 = arith.constant 0 : index
      %get3A_46 = vector.load %arg3[%get3A_43, %get3A_44, %get3A_45] : memref<4x128x256xbf16, #tpu.memory_space<vmem>>, vector<1x128x256xbf16>
      %get3A_47 = vector.shape_cast %get3A_46 : vector<1x128x256xbf16> to vector<128x256xbf16>
      %dot_general3A_48 = arith.constant dense<0.000000e+00> : vector<2048x256xf32>
      %dot_general3A_49 = tpu.matmul %convert_element_type3A_42, %get3A_47, %dot_general3A_48 {dimension_numbers = #tpu.dot_dimension_numbers<[1], [0], [0], [1], [0, 0, 1, 1], [], []>, transpose_lhs_hint = false} : vector<2048x128xbf16>, vector<128x256xbf16>, vector<2048x256xf32> -> vector<2048x256xf32>
      %add3A_50 = arith.addf %broadcast_in_dim3A_36, %dot_general3A_49 : vector<2048x256xf32>
      %get3A_51 = arith.constant 1 : index
      %get3A_52 = arith.constant 0 : index
      %get3A_53 = arith.constant 0 : index
      %get3A_54 = vector.load %arg2[%get3A_51, %get3A_52, %get3A_53] : memref<4x2048x128xf32, #tpu.memory_space<vmem>>, vector<1x2048x128xf32>
      %get3A_55 = vector.shape_cast %get3A_54 : vector<1x2048x128xf32> to vector<2048x128xf32>
      %convert_element_type3A_56 = arith.truncf %get3A_55 : vector<2048x128xf32> to vector<2048x128xbf16>
      %get3A_57 = arith.constant 1 : index
      %get3A_58 = arith.constant 0 : index
      %get3A_59 = arith.constant 0 : index
      %get3A_60 = vector.load %arg3[%get3A_57, %get3A_58, %get3A_59] : memref<4x128x256xbf16, #tpu.memory_space<vmem>>, vector<1x128x256xbf16>
      %get3A_61 = vector.shape_cast %get3A_60 : vector<1x128x256xbf16> to vector<128x256xbf16>
      %dot_general3A_62 = arith.constant dense<0.000000e+00> : vector<2048x256xf32>
      %dot_general3A_63 = tpu.matmul %convert_element_type3A_56, %get3A_61, %dot_general3A_62 {dimension_numbers = #tpu.dot_dimension_numbers<[1], [0], [0], [1], [0, 0, 1, 1], [], []>, transpose_lhs_hint = false} : vector<2048x128xbf16>, vector<128x256xbf16>, vector<2048x256xf32> -> vector<2048x256xf32>
      %add3A_64 = arith.addf %add3A_50, %dot_general3A_63 : vector<2048x256xf32>
      %get3A_65 = arith.constant 2 : index
      %get3A_66 = arith.constant 0 : index
      %get3A_67 = arith.constant 0 : index
      %get3A_68 = vector.load %arg2[%get3A_65, %get3A_66, %get3A_67] : memref<4x2048x128xf32, #tpu.memory_space<vmem>>, vector<1x2048x128xf32>
      %get3A_69 = vector.shape_cast %get3A_68 : vector<1x2048x128xf32> to vector<2048x128xf32>
      %convert_element_type3A_70 = arith.truncf %get3A_69 : vector<2048x128xf32> to vector<2048x128xbf16>
      %get3A_71 = arith.constant 2 : index
      %get3A_72 = arith.constant 0 : index
      %get3A_73 = arith.constant 0 : index
      %get3A_74 = vector.load %arg3[%get3A_71, %get3A_72, %get3A_73] : memref<4x128x256xbf16, #tpu.memory_space<vmem>>, vector<1x128x256xbf16>
      %get3A_75 = vector.shape_cast %get3A_74 : vector<1x128x256xbf16> to vector<128x256xbf16>
      %dot_general3A_76 = arith.constant dense<0.000000e+00> : vector<2048x256xf32>
      %dot_general3A_77 = tpu.matmul %convert_element_type3A_70, %get3A_75, %dot_general3A_76 {dimension_numbers = #tpu.dot_dimension_numbers<[1], [0], [0], [1], [0, 0, 1, 1], [], []>, transpose_lhs_hint = false} : vector<2048x128xbf16>, vector<128x256xbf16>, vector<2048x256xf32> -> vector<2048x256xf32>
      %add3A_78 = arith.addf %add3A_64, %dot_general3A_77 : vector<2048x256xf32>
      %get3A_79 = arith.constant 3 : index
      %get3A_80 = arith.constant 0 : index
      %get3A_81 = arith.constant 0 : index
      %get3A_82 = vector.load %arg2[%get3A_79, %get3A_80, %get3A_81] : memref<4x2048x128xf32, #tpu.memory_space<vmem>>, vector<1x2048x128xf32>
      %get3A_83 = vector.shape_cast %get3A_82 : vector<1x2048x128xf32> to vector<2048x128xf32>
      %convert_element_type3A_84 = arith.truncf %get3A_83 : vector<2048x128xf32> to vector<2048x128xbf16>
      %get3A_85 = arith.constant 3 : index
      %get3A_86 = arith.constant 0 : index
      %get3A_87 = arith.constant 0 : index
      %get3A_88 = vector.load %arg3[%get3A_85, %get3A_86, %get3A_87] : memref<4x128x256xbf16, #tpu.memory_space<vmem>>, vector<1x128x256xbf16>
      %get3A_89 = vector.shape_cast %get3A_88 : vector<1x128x256xbf16> to vector<128x256xbf16>
      %dot_general3A_90 = arith.constant dense<0.000000e+00> : vector<2048x256xf32>
      %dot_general3A_91 = tpu.matmul %convert_element_type3A_84, %get3A_89, %dot_general3A_90 {dimension_numbers = #tpu.dot_dimension_numbers<[1], [0], [0], [1], [0, 0, 1, 1], [], []>, transpose_lhs_hint = false} : vector<2048x128xbf16>, vector<128x256xbf16>, vector<2048x256xf32> -> vector<2048x256xf32>
      %add3A_92 = arith.addf %add3A_78, %dot_general3A_91 : vector<2048x256xf32>
      %get3A_93 = arith.constant 0 : index
      %get3A_94 = vector.load %arg4[%get3A_93] : memref<256xf32, #tpu.memory_space<vmem>>, vector<256xf32>
      %broadcast_in_dim3A_95 = vector.shape_cast %get3A_94 : vector<256xf32> to vector<1x256xf32>
      %add3A_96 = vector.broadcast %broadcast_in_dim3A_95 : vector<1x256xf32> to vector<2048x256xf32>
      %add3A_97 = arith.addf %add3A_92, %add3A_96 : vector<2048x256xf32>
      %max3A = arith.constant 0.000000e+00 : f32
      %max3A_98 = vector.broadcast %max3A : f32 to vector<2048x256xf32>
      %max3A_99 = arith.maximumf %add3A_97, %max3A_98 : vector<2048x256xf32>
      %convert_element_type3A_100 = arith.truncf %max3A_99 : vector<2048x256xf32> to vector<2048x256xbf16>
      %transpose3A = tpu.transpose %convert_element_type3A_100, [1, 0] : vector<2048x256xbf16> -> vector<256x2048xbf16>
      %swap3A_101 = arith.constant 0 : index
      %swap3A_102 = arith.constant 0 : index
      %swap3A_103 = vector.load %arg8[%swap3A_101, %swap3A_102] : memref<256x2048xbf16, #tpu.memory_space<vmem>>, vector<256x2048xbf16>
      tpu.vector_store %arg8[%swap3A_101, %swap3A_102], %transpose3A {strides = array<i32>} : memref<256x2048xbf16, #tpu.memory_space<vmem>>, vector<256x2048xbf16>,
    } else {
    }
    %get3A = arith.constant 0 : index
    %get3A_2 = arith.constant 0 : index
    %get3A_3 = vector.load %arg5[%get3A, %get3A_2] : memref<512x256xbf16, #tpu.memory_space<vmem>>, vector<512x256xbf16>
    %get3A_4 = arith.constant 0 : index
    %get3A_5 = arith.constant 0 : index
    %get3A_6 = vector.load %arg8[%get3A_4, %get3A_5] : memref<256x2048xbf16, #tpu.memory_space<vmem>>, vector<256x1024xbf16>
    %dot_general3A = arith.constant dense<0.000000e+00> : vector<512x1024xf32>
    %dot_general3A_7 = tpu.matmul %get3A_3, %get3A_6, %dot_general3A {dimension_numbers = #tpu.dot_dimension_numbers<[1], [0], [0], [1], [0, 0, 1, 1], [], []>, transpose_lhs_hint = false} : vector<512x256xbf16>, vector<256x1024xbf16>, vector<512x1024xf32> -> vector<512x1024xf32>
    %get3A_8 = arith.constant 0 : index
    %get3A_9 = vector.load %arg6[%get3A_8] : memref<512xf32, #tpu.memory_space<vmem>>, vector<512xf32>
    %broadcast_in_dim3A = vector.shape_cast %get3A_9 : vector<512xf32> to vector<512x1xf32>
    %add3A = vector.broadcast %broadcast_in_dim3A : vector<512x1xf32> to vector<512x1024xf32>
    %add3A_10 = arith.addf %dot_general3A_7, %add3A : vector<512x1024xf32>
    %swap3A = arith.constant 0 : index
    %swap3A_11 = arith.constant 0 : index
    %swap3A_12 = arith.constant 0 : index
    %swap3A_13 = vector.load %arg7[%swap3A, %swap3A_11, %swap3A_12] : memref<2x512x1024xf32, #tpu.memory_space<vmem>>, vector<1x512x1024xf32>
    %swap3A_14 = vector.shape_cast %swap3A_13 : vector<1x512x1024xf32> to vector<512x1024xf32>
    %swap3A_15 = vector.shape_cast %add3A_10 : vector<512x1024xf32> to vector<1x512x1024xf32>
    tpu.vector_store %arg7[%swap3A, %swap3A_11, %swap3A_12], %swap3A_15 {strides = array<i32>} : memref<2x512x1024xf32, #tpu.memory_space<vmem>>, vector<1x512x1024xf32>,
    %get3A_16 = arith.constant 0 : index
    %get3A_17 = arith.constant 0 : index
    %get3A_18 = vector.load %arg5[%get3A_16, %get3A_17] : memref<512x256xbf16, #tpu.memory_space<vmem>>, vector<512x256xbf16>
    %get3A_19 = arith.constant 0 : index
    %get3A_20 = arith.constant 1024 : index
    %get3A_21 = vector.load %arg8[%get3A_19, %get3A_20] : memref<256x2048xbf16, #tpu.memory_space<vmem>>, vector<256x1024xbf16>
    %dot_general3A_22 = arith.constant dense<0.000000e+00> : vector<512x1024xf32>
    %dot_general3A_23 = tpu.matmul %get3A_18, %get3A_21, %dot_general3A_22 {dimension_numbers = #tpu.dot_dimension_numbers<[1], [0], [0], [1], [0, 0, 1, 1], [], []>, transpose_lhs_hint = false} : vector<512x256xbf16>, vector<256x1024xbf16>, vector<512x1024xf32> -> vector<512x1024xf32>
    %get3A_24 = arith.constant 0 : index
    %get3A_25 = vector.load %arg6[%get3A_24] : memref<512xf32, #tpu.memory_space<vmem>>, vector<512xf32>
    %broadcast_in_dim3A_26 = vector.shape_cast %get3A_25 : vector<512xf32> to vector<512x1xf32>
    %add3A_27 = vector.broadcast %broadcast_in_dim3A_26 : vector<512x1xf32> to vector<512x1024xf32>
    %add3A_28 = arith.addf %dot_general3A_23, %add3A_27 : vector<512x1024xf32>
    %swap3A_29 = arith.constant 1 : index
    %swap3A_30 = arith.constant 0 : index
    %swap3A_31 = arith.constant 0 : index
    %swap3A_32 = vector.load %arg7[%swap3A_29, %swap3A_30, %swap3A_31] : memref<2x512x1024xf32, #tpu.memory_space<vmem>>, vector<1x512x1024xf32>
    %swap3A_33 = vector.shape_cast %swap3A_32 : vector<1x512x1024xf32> to vector<512x1024xf32>
    %swap3A_34 = vector.shape_cast %add3A_28 : vector<512x1024xf32> to vector<1x512x1024xf32>
    tpu.vector_store %arg7[%swap3A_29, %swap3A_30, %swap3A_31], %swap3A_34 {strides = array<i32>} : memref<2x512x1024xf32, #tpu.memory_space<vmem>>, vector<1x512x1024xf32>,
    return
  }
  func.func @transform_0(%arg0: i32, %arg1: i32) -> (i32, i32, i32) {
    %c0_i32 = arith.constant 0 : i32
    %c0_i32_0 = arith.constant 0 : i32
    %c0_i32_1 = arith.constant 0 : i32
    return %c0_i32, %arg0, %c0_i32_0 : i32, i32, i32
  }
  func.func @transform_1(%arg0: i32, %arg1: i32) -> (i32, i32, i32) {
    %c0_i32 = arith.constant 0 : i32
    %c0_i32_0 = arith.constant 0 : i32
    %c0_i32_1 = arith.constant 0 : i32
    %c0_i32_2 = arith.constant 0 : i32
    return %c0_i32, %c0_i32_0, %c0_i32_1 : i32, i32, i32
  }
  func.func @transform_2(%arg0: i32, %arg1: i32) -> i32 {
    %c0_i32 = arith.constant 0 : i32
    %c0_i32_0 = arith.constant 0 : i32
    return %c0_i32 : i32
  }
  func.func @transform_3(%arg0: i32, %arg1: i32) -> (i32, i32) {
    %c0_i32 = arith.constant 0 : i32
    %c0_i32_0 = arith.constant 0 : i32
    return %arg1, %c0_i32 : i32, i32
  }
  func.func @transform_4(%arg0: i32, %arg1: i32) -> i32 {
    %c0_i32 = arith.constant 0 : i32
    return %arg1 : i32
  }
  func.func @transform_5(%arg0: i32, %arg1: i32) -> (i32, i32, i32) {
    %add3A = arith.constant 0 : i32
    %add3A_0 = arith.addi %arg0, %add3A : i32
    %c0_i32 = arith.constant 0 : i32
    %c0_i32_1 = arith.constant 0 : i32
    return %add3A_0, %arg1, %c0_i32 : i32, i32, i32
  }
}

</mosaic_0001>

<sc_bundles>
// kernel: kernel.4.cloned.1.call-start
scs
__scs_entry_jumppad:
0x0: {  	(pc) =	sbr.rel $0x88, $3  }
0x1: {  	(tag) =	ssettag $0x0;
	lr =	simm.s32 $0x1  }
0x2: {  	[smem:$0x3F95] =	sst lr;
	_ =	strace $0xD0000000  }
0x3: {  	_ = 	snop  }
0x4: {  	_ = 	snop  }
0x5: {  	_ = 	snop  }
0x6: {  	_ = 	snop  }
0x7: {  	_ = 	snop  }
__scs_overlays_trampoline_lowered:
0x8: {  	[smem:$0x3FA4] =	sst s0  }
0x9: {  	[smem:$0x3FA5] =	sst s1  }
0xa: {  	[smem:$0x3FA6] =	sst s2  }
0xb: {  	[smem:$0x3FA7] =	sst s3  }
0xc: {  	[smem:$0x3FA8] =	sst s4  }
0xd: {  	[smem:$0x3FA9] =	sst s5  }
0xe: {  	[smem:$0x3FAA] =	sst s6  }
0xf: {  	[smem:$0x3FAB] =	sst s7  }
0x10: {  	[smem:$0x3FAC] =	sst s8  }
0x11: {  	[smem:$0x3FAD] =	sst s9;
	s0 =	simm.s32 @!p0 $0x0  }
0x12: {  	s1 =	sld [smem:$0x3F93];
	s0 =	simm.s32 @p0 $0x1  }
0x13: {  	[smem:$0x3FAE] =	sst s0;
	s0 =	simm.s32 @!p1 $0x0  }
0x14: {  	s2 =	sld [smem:$0x3F92];
	s0 =	simm.s32 @p1 $0x1  }
0x15: {  	[smem:$0x3FAF] =	sst s0;
	s0 =	simm.s32 @!p2 $0x0  }
0x16: {  	s3 =	sld [smem:$0x3FDB];
	s0 =	simm.s32 @p2 $0x1  }
0x17: {  	s4 =	simm.s32 $0x1BF5;
	[smem:$0x3FB1] =	sst s0  }
0x18: {  	s0 =	sld [smem:$0x3F94];
	_ =	swait.ge [sflag:s4], $0x0  }
0x19: {  	s7 =	sld [smem:$0x3F95]  }
0x1a: {  	s8 =	sadd.s32 $0xFFFFE003, lr  }
0x1b: {  	s9 =	sadd.s32 $0xFFFFFEF7, lr;
	s5 =	simm.s32 $0xFFFFFFFF;
	p2 =	slt.u32 s8, $0xFFFFF086  }
0x1c: {  	p1 =	slt.u32 s9, $0xF7A;
	s5 =	simm.s32 @!p2 $0x0  }
0x1d: {  	s5 =	simm.s32 @p1 $0x1;
	p0 =	seq.s32 s7, s2  }
0x1e: {  	s7 =	smul.u32 @!p0 $0xF7A, s2;
	p2 =	seq.s32 @!p0 s5, $0x0  }
0x1f: {  	s9 =	smul.u32 $0xF7A, s1;
	s8 =	simm.s32 @!p0 $0x1BF5;
	p2 =	por !p2, p0  }
0x20: {  	[sflag:s8] =	ssyncset.s32 @!p0 $0xFFFFF086;
	s6 =	sadd.s32 @!p0 s3, s7;
	s7 =	simm.s32 @!p0 $0x108  }
0x21: {  	s3 =	sadd.s32 s3, s9;
	s6 =	sadd.s32 @!p0 $0x88, s6;
	s7 =	simm.s32 @p2 $0x1082  }
0x22: {  	[simem:s7], [sflag:s8] =	dma.local @!p0 [hbm:s6], $0xF7A  }
0x23: {  	s9 =	sor.u32 $0xD0000000, s2;
	s6 =	simm.s32 $0x108;
	_ =	swait.ge @!p0 [sflag:s8], $0x0  }
0x24: {  	s3 =	sadd.s32 $0x88, s3;
	s6 =	simm.s32 @!p1 $0x1082;
	[sflag:s4] =	ssyncset.s32 $0xFFFFF086  }
0x25: {  	[simem:s6], [sflag:s4] =	dma.local [hbm:s3], $0xF7A  }
0x26: {  	[smem:$0x3F95] =	sst s1;
	(tag) =	ssettag s2;
	_ =	strace s9  }
0x27: {  	s1 =	sld [smem:$0x3FA5]  }
0x28: {  	s2 =	sld [smem:$0x3FA6]  }
0x29: {  	s4 =	sld [smem:$0x3FA8]  }
0x2a: {  	p0 =	seq.s32 s5, $0x0;
	s5 =	sld [smem:$0x3FA9]  }
0x2b: {  	s6 =	sld [smem:$0x3FAA]  }
0x2c: {  	s7 =	sld [smem:$0x3FAB]  }
0x2d: {  	s3 =	simm.s32 $0x108;
	s8 =	sld [smem:$0x3FAC]  }
0x2e: {  	s3 =	simm.s32 @!p0 $0x1082;
	s9 =	sld [smem:$0x3FAD]  }
0x2f: {  	lr =	sadd.s32 s0, s3;
	s0 =	sld [smem:$0x3FA4]  }
0x30: {  	s3 =	sld [smem:$0x3FA7]  }
0x31: {  	[smem:$0x3FB0] =	sst s10  }
0x32: {  	s10 =	sld [smem:$0x3FAE];
	_ =	sdelay $0x3  }
0x33: {  	p0 =	seq.s32 s10, $0x1;
	s10 =	sld [smem:$0x3FB0];
	_ =	sdelay $0x3  }
0x34: {  	[smem:$0x3FB0] =	sst s10  }
0x35: {  	s10 =	sld [smem:$0x3FAF];
	_ =	sdelay $0x3  }
0x36: {  	p1 =	seq.s32 s10, $0x1;
	s10 =	sld [smem:$0x3FB0];
	_ =	sdelay $0x3  }
0x37: {  	[smem:$0x3FB0] =	sst s10  }
0x38: {  	s10 =	sld [smem:$0x3FB1]  }
0x39: {  	_ = 	snop;
	(pc) =	sbr.ind lr, $3  }
0x3a: {  	_ = 	snop  }
0x3b: {  	_ = 	snop  }
0x3c: {  	p2 =	seq.s32 s10, $0x1;
	s10 =	sld [smem:$0x3FB0]  }
0x3d: {  	_ =	shalt  }
0x3e: {  	_ =	shalt  }
0x3f: {  	_ =	shalt  }
0x40: {  	_ =	shalt  }
0x41: {  	_ =	shalt  }
0x42: {  	_ =	shalt  }
0x43: {  	_ =	shalt  }
0x44: {  	_ =	shalt  }
0x45: {  	_ =	shalt  }
0x46: {  	_ =	shalt  }
0x47: {  	_ =	shalt  }
0x48: {  	_ =	shalt  }
0x49: {  	_ =	shalt  }
0x4a: {  	_ =	shalt  }
0x4b: {  	_ =	shalt  }
0x4c: {  	_ =	shalt  }
0x4d: {  	_ =	shalt  }
0x4e: {  	_ =	shalt  }
0x4f: {  	_ =	shalt  }
0x50: {  	_ =	shalt  }
0x51: {  	_ =	shalt  }
0x52: {  	_ =	shalt  }
0x53: {  	_ =	shalt  }
0x54: {  	_ =	shalt  }
0x55: {  	_ =	shalt  }
0x56: {  	_ =	shalt  }
0x57: {  	_ =	shalt  }
0x58: {  	_ =	shalt  }
0x59: {  	_ =	shalt  }
0x5a: {  	_ =	shalt  }
0x5b: {  	_ =	shalt  }
0x5c: {  	_ =	shalt  }
0x5d: {  	_ =	shalt  }
0x5e: {  	_ =	shalt  }
0x5f: {  	_ =	shalt  }
0x60: {  	_ =	shalt  }
0x61: {  	_ =	shalt  }
0x62: {  	_ =	shalt  }
0x63: {  	_ =	shalt  }
0x64: {  	_ =	shalt  }
0x65: {  	_ =	shalt  }
0x66: {  	_ =	shalt  }
0x67: {  	_ =	shalt  }
0x68: {  	_ =	shalt  }
0x69: {  	_ =	shalt  }
0x6a: {  	_ =	shalt  }
0x6b: {  	_ =	shalt  }
0x6c: {  	_ =	shalt  }
0x6d: {  	_ =	shalt  }
0x6e: {  	_ =	shalt  }
0x6f: {  	_ =	shalt  }
0x70: {  	_ =	shalt  }
0x71: {  	_ =	shalt  }
0x72: {  	_ =	shalt  }
0x73: {  	_ =	shalt  }
0x74: {  	_ =	shalt  }
0x75: {  	_ =	shalt  }
0x76: {  	_ =	shalt  }
0x77: {  	_ =	shalt  }
0x78: {  	_ =	shalt  }
0x79: {  	_ =	shalt  }
0x7a: {  	_ =	shalt  }
0x7b: {  	_ =	shalt  }
0x7c: {  	_ =	shalt  }
0x7d: {  	_ =	shalt  }
0x7e: {  	_ =	shalt  }
0x7f: {  	_ =	shalt  }
0x80: {  	_ =	shalt  }
0x81: {  	_ =	shalt  }
0x82: {  	_ =	shalt  }
0x83: {  	_ =	shalt  }
0x84: {  	_ =	shalt  }
0x85: {  	_ =	shalt  }
0x86: {  	_ =	shalt  }
0x87: {  	_ =	shalt  }
.Lfunc_end0:
.L_simem_size_0:
called_computation_lowered:
.L_overlay_start_0:
0x88: {  	s2 =	sld [smem:$0x3FD9]  }
0x89: {  	s3 =	sld [smem:$0x3FFE];
	_ =	sdelay $0x1  }
0x8a: {  	s1 =	srdreg.scid  }
0x8b: {  	s0 =	sand.u32 $0x1, s1  }
0x8c: {  	s17 =	sshll.u32 s0, $0xA;
	s2 =	sadd.s32 s3, s2  }
0x8d: {  	s2 =	sadd.s32 s2, s17  }
0x8e: {  	[smem:$0x3FBC] =	sst s2  }
0x8f: {  	_ = 	snop  }
0x90: {  	s2 =	sld [smem:$0x3FC5]  }
0x91: {  	s18 =	sld [smem:$0x3FC4]  }
0x92: {  	s4 =	sld [smem:$0x3FC3]  }
0x93: {  	s5 =	sld [smem:$0x3FC2]  }
0x94: {  	s6 =	sld [smem:$0x3FD0];
	(tm) =	ssettm $0x1  }
0x95: {  	s7 =	sld [smem:$0x3FFB];
	_ =	sdelay $0x3  }
0x96: {  	_ =	strace s7  }
0x97: {  	s7 =	sld [smem:$0x3FFC];
	_ =	sdelay $0x3  }
0x98: {  	_ =	strace s7  }
0x99: {  	s7 =	sld [smem:$0x3FFD];
	_ =	sdelay $0x3  }
0x9a: {  	_ =	strace s7  }
0x9b: {  	_ =	strace $0x8FFFFFFF  }
0x9c: {  	s19 =	sld [smem:$0x3FDB];
	_ =	sdelay $0x1  }
0x9d: {  	s8 =	simm.s32 $_scs_section_size  }
0x9e: {  	s9 =	simm.s32 $_size__tile_overlayer_lowered;
	s10 =	simm.s32 $_tile_overlayer_lowered  }
0x9f: {  	s22 =	simm.s32 $0x1BFF;
	s21 =	sshll.u32 s10, $0x1;
	s7 =	sadd.s32 s8, s19  }
0xa0: {  	s11 =	simm.s32 $0x0;
	s20 =	sshll.u32 s9, $0x1;
	s9 =	sadd.s32 s21, s7  }
0xa1: {  	[timem:s11], [sflag:s22] =	dma.local [hbm:s9], s20  }
0xa2: {  	_ =	swait.ge [sflag:s22], s20  }
0xa3: {  	s8 =	ssub.s32 $0x0, s20;
	[sflag:s22] =	ssyncset.done $0x0  }
0xa4: {  	[sflag:s22] =	ssyncadd.s32 s8;
	_ =	sdelay $0x1  }
0xa5: {  	s23 =	simm.s32 $0x1B8B  }
0xa6: {  	_ =	swait.ge [sflag:s23], $0x1  }
0xa7: {  	[sflag:s23] =	ssyncset.done $0x0  }
0xa8: {  	s25 =	simm.s32 $0x1B8E;
	s24 =	sld [smem:$0x3FFE];
	[sflag:s23] =	ssyncadd.s32 $0xFFFFFFFF  }
0xa9: {  	s26 =	simm.s32 $execute0_lowered;
	[smem:$0x3FD2] =	sst s25  }
0xaa: {  	s9 =	sshll.u32 s26, $0x1;
	_ =	strace $0x80000046;
	[dreg:$0x1] =	wrdreg $0xFFFFFFFF  }
0xab: {  	s28 =	simm.s32 $_size_execute0_lowered;
	s7 =	sadd.s32 s7, s9;
	[dreg:$0x0] =	wrdreg $0x0  }
0xac: {  	s9 =	sshll.u32 s28, $0x1;
	[dreg:$0x2] =	wrdreg s7  }
0xad: {  	[dreg:$0x3] =	wrdreg s9  }
0xae: {  	[dreg:$0x4] =	wrdreg $0xC0  }
0xaf: {  	_ =	task [dreg:s11], $0x5FFFF  }
0xb0: {  	[dreg:$0x1] =	wrdreg $0xFFFFFFFF  }
0xb1: {  	[dreg:$0x0] =	wrdreg $0x60  }
0xb2: {  	[dreg:$0x2] =	wrdreg s6  }
0xb3: {  	[dreg:$0x3] =	wrdreg s24  }
0xb4: {  	[dreg:$0x4] =	wrdreg s2  }
0xb5: {  	[dreg:$0x5] =	wrdreg s18  }
0xb6: {  	[dreg:$0x6] =	wrdreg s4  }
0xb7: {  	[dreg:$0x7] =	wrdreg s5  }
0xb8: {  	[dreg:$0x8] =	wrdreg $0x1A4000  }
0xb9: {  	[dreg:$0x9] =	wrdreg $0x9  }
0xba: {  	_ =	task.clear_ibuf [dreg:s11], $0xAFFFF;
	_ =	strace $0x90000046  }
0xbb: {  	s29 =	simm.s32 $0x9;
	_ =	strace $0x80000048  }
0xbc: {  	_ =	swait.ge [sflag:s29], $0x1  }
0xbd: {  	[sflag:s29] =	ssyncadd.s32 $0xFFFFFFFF  }
0xbe: {  	_ =	strace $0x90000048  }
0xbf: {  	_ =	sfence  }
0xc0: {  	s30 =	sld [smem:$0x0];
	_ =	sdelay $0x2  }
0xc1: {  	s31 =	sshll.u32 s1, $0xD;
	s1 =	sshrl.u32 s1, $0x2  }
0xc2: {  	s3 =	sand.u32 $0x4000, s31;
	s1 =	sadd.s32 s1, s30  }
0xc3: {  	s0 =	sor.u32 s3, s0;
	s1 =	sshll.u32 s1, $0x11  }
0xc4: {  	s0 =	sor.u32 s1, s0  }
0xc5: {  	s0 =	sadd.s32 $0x8F2B, s0  }
0xc6: {  	[sflag:s0] =	ssyncadd.remote.s32 $0x1  }
0xc7: {  	_ =	sfence.sel $0xFFFF  }
0xc8: {  	[dreg:$0x0] =	wrdreg $0xFFFFFFFF;
	(pc) =	sbr.abs _section_cstart, $3  }
0xc9: {  	[dreg:$0x1] =	wrdreg $0xFFFFFFFF  }
0xca: {  	_ =	task.clear_ibuf [dreg:s11], $0x2FFFF;
	_ =	strace $0x9FFFFFFF  }
0xcb: {  	(tm) =	ssettm $0x7FFFFFFF  }
tec
execute0_lowered:
.L_overlay_start_1:
0x0: {  	(tag) =	ssettag $0x1  }
0x1: {  	s0 =	rddreg [dreg:$0x0]  }
0x2: {  	s4 =	rddreg [dreg:$0x1]  }
0x3: {  	s1 =	rddreg [dreg:$0x2]  }
0x4: {  	s2 =	rddreg [dreg:$0x3]  }
0x5: {  	s5 =	srdreg.scid;
	s3 =	rddreg [dreg:$0x4]  }
0x6: {  	s12 =	stileid.u32;
	s13 =	simm.s32 $0x0;
	s25 =	simm.s32 $0xA100  }
0x7: {  	s26 =	simm.s32 $0xA180;
	s28 =	simm.s32 $0x12400;
	s29 =	simm.s32 $0x16400  }
0x8: {  	s30 =	simm.s32 $0x1C400;
	s7 =	sand.u32 $0x1, s5;
	s5 =	rddreg [dreg:$0x5]  }
0x9: {  	s31 =	simm.s32 $0x4;
	s6 =	sshrl.u32 s12, $0x2;
	[smem:$0x7FF] =	sst s13  }
0xa: {  	s13 =	sadd.s32 $0x1FA00, s4;
	s10 =	smul.u32 $0x14000, s6;
	s6 =	rddreg [dreg:$0x6]  }
0xb: {  	s8 =	sshll.u32 s12, $0x8;
	_ =	strace $0x80000047;
	[dreg:$0x15] =	wrdreg s13  }
0xc: {  	s14 =	smul.u32 $0x5000, s12;
	s19 =	sshll.u32 s12, $0x6;
	[dreg:$0x9] =	wrdreg s25  }
0xd: {  	s17 =	sshll.u32 s12, $0xD;
	s9 =	sshll.u32 s7, $0x7;
	[dreg:$0xa] =	wrdreg s26  }
0xe: {  	s11 =	ssub.s32 $0x2, s7;
	s7 =	smul.u32 $0x2800, s7;
	[dreg:$0x16] =	wrdreg s19  }
0xf: {  	s8 =	sor.u32 s9, s8;
	s16 =	sshrl.u32 s11, $0x1;
	s12 =	sadd.s32 s17, s6  }
0x10: {  	s8 =	sand.u32 $0x380, s8;
	s9 =	ssub.s32 s11, s16;
	s22 =	sadd.s32 $0x400, s12  }
0x11: {  	s23 =	sadd.s32 $0x800, s12;
	s24 =	sadd.s32 $0xC00, s12;
	s11 =	sadd.s32 $0x1400, s12  }
0x12: {  	s13 =	sadd.s32 $0x1800, s12;
	s17 =	sadd.s32 $0x1C00, s12;
	s8 =	sor.u32 s10, s8  }
0x13: {  	s9 =	smax.u32 s9, $0x1;
	s25 =	sshrl.u32 s13, $0x3;
	s26 =	sshrl.u32 s17, $0x3  }
0x14: {  	s10 =	simm.s32 $0x0;
	s8 =	sshrl.u32 s8, $0x3;
	[dreg:$0x1b] =	wrdreg s9  }
0x15: {  	s9 =	sshrl.u32 s23, $0x3;
	s23 =	simm.s32 $0xA380;
	[dreg:$0x13] =	wrdreg s25  }
0x16: {  	[dreg:$0x14] =	wrdreg s26;
	s25 =	simm.s32 $0xA400;
	s26 =	simm.s32 $0xE400  }
0x17: {  	s15 =	sadd.s32 s8, s4;
	s4 =	sadd.s32 s14, s4;
	[dreg:$0xc] =	wrdreg s9  }
0x18: {  	s0 =	sadd.s32 s0, s8;
	s14 =	simm.s32 $0xA080;
	[dreg:$0x11] =	wrdreg s23  }
0x19: {  	s8 =	simm.s32 $0x3;
	[dreg:$0x17] =	wrdreg s0;
	s18 =	sadd.s32 $0x1A00, s15  }
0x1a: {  	s20 =	sadd.s32 $0xBA00, s15;
	s21 =	sadd.s32 $0x15A00, s15;
	[dreg:$0x8] =	wrdreg s14  }
0x1b: {  	s15 =	sadd.s32 $0x1000, s12;
	s0 =	sshrl.u32 s22, $0x3;
	[dreg:$0x18] =	wrdreg s18  }
0x1c: {  	s4 =	sadd.s32 s7, s4;
	s14 =	sshrl.u32 s24, $0x3;
	[dreg:$0x19] =	wrdreg s20  }
0x1d: {  	s22 =	simm.s32 $0xA300;
	s24 =	sshrl.u32 s11, $0x3;
	[dreg:$0x1a] =	wrdreg s21  }
0x1e: {  	s7 =	simm.s32 $0x5;
	[dreg:$0xb] =	wrdreg s0;
	s16 =	sadd.s32 $0x1FC00, s4  }
0x1f: {  	s18 =	simm.s32 $0x80;
	[dreg:$0xd] =	wrdreg s14;
	s20 =	simm.s32 $0xA200  }
0x20: {  	s21 =	simm.s32 $0xA280;
	s14 =	simm.s32 $0x2800;
	[dreg:$0x10] =	wrdreg s22  }
0x21: {  	[dreg:$0x12] =	wrdreg s24;
	s22 =	simm.s32 $0x7800;
	s24 =	simm.s32 $0xA000  }
0x22: {  	s4 =	simm.s32 $0x1;
	s0 =	simm.s32 $0x2;
	[dreg:$0xe] =	wrdreg s20  }
0x23: {  	v1 =	vimm.f32 $0.0e+00;
	v0 =	vmov s19;
	s20 =	simm.s32 $0x6;
	[dreg:$0xf] =	wrdreg s21;
	s21 =	simm.s32 $0x5000  }
.LBB2_1:
0x24: {  	[dreg:$0x1c] =	wrdreg s10  }
0x25: {  	s9 =	simm.s32 $0x0;
	s23 =	rddreg [dreg:$0x17];
	s11 =	simm.s32 $0x400  }
0x26: {  	[tilespmem:s9], [sflag:$0x6] =	stream.strided.gather [hbm4b:s23+s18], $0x2800, s11, s18, $0x38;
	[tilespmem:$0x1D400] =	vst v63  }
0x27: {  	_ =	swait.ge [sflag:s20], $0x2800  }
0x28: {  	[sflag:s20] =	ssyncset.done $0x0  }
0x29: {  	s13 =	rddreg [dreg:$0x18];
	[sflag:s20] =	ssyncadd.s32 $0xFFFFD800  }
0x2a: {  	[tilespmem:s14], [sflag:$0x6] =	stream.strided.gather [hbm4b:s13+s18], $0x2800, s11, s18, $0x38;
	[tilespmem:$0x1D400] =	vst v63  }
0x2b: {  	_ =	swait.ge [sflag:s20], $0x2800  }
0x2c: {  	[sflag:s20] =	ssyncset.done $0x0  }
0x2d: {  	s17 =	rddreg [dreg:$0x19];
	[sflag:s20] =	ssyncadd.s32 $0xFFFFD800  }
0x2e: {  	[tilespmem:s21], [sflag:$0x6] =	stream.strided.gather [hbm4b:s17+s18], $0x2800, s11, s18, $0x38;
	[tilespmem:$0x1D400] =	vst v63  }
0x2f: {  	_ =	swait.ge [sflag:s20], $0x2800  }
0x30: {  	[sflag:s20] =	ssyncset.done $0x0  }
0x31: {  	s19 =	rddreg [dreg:$0x1a];
	[sflag:s20] =	ssyncadd.s32 $0xFFFFD800  }
0x32: {  	[tilespmem:s22], [sflag:$0x6] =	stream.strided.gather [hbm4b:s19+s18], $0x2800, s11, s18, $0x38;
	[tilespmem:$0x1D400] =	vst v63  }
0x33: {  	_ =	swait.ge [sflag:s20], $0x2800  }
0x34: {  	[sflag:s20] =	ssyncset.done $0x0  }
0x35: {  	s23 =	rddreg [dreg:$0x15];
	[sflag:s20] =	ssyncadd.s32 $0xFFFFD800  }
0x36: {  	[tilespmem:s24], [sflag:$0x6] =	stream.linear.gather [hbm4b:s23+s9], $0x400, $0x38;
	[tilespmem:$0x1D400] =	vst v63  }
0x37: {  	_ =	swait.ge [sflag:s20], $0x400  }
0x38: {  	[sflag:s20] =	ssyncset.done $0x0  }
0x39: {  	s9 =	simm.s32 $0x0;
	[sflag:s20] =	ssyncadd.s32 $0xFFFFFC00  }
0x3a: {  	v4 =	vld [tilespmem:s9+$0xA000]  }
0x3b: {  	v6 =	vld [tilespmem:s9+$0xA010]  }
0x3c: {  	v5 =	vld [tilespmem:s9+$0xA020]  }
0x3d: {  	v3 =	vld [tilespmem:s9+$0xA030]  }
0x3e: {  	v2 =	vld [tilespmem:s9+$0xA040]  }
0x3f: {  	v7 =	vadd.s32 v0, v4;
	v4 =	vld [tilespmem:s9+$0xA050]  }
0x40: {  	s11 =	simm.s32 $0x200;
	[tilespmem:s9+$0xA000] =	vst v7;
	v7 =	vadd.s32 v0, v6;
	v6 =	vld [tilespmem:s9+$0xA060]  }
.LBB2_2:
0x41: {  	s13 =	sshra.s32 s11, $0x2;
	p0 =	sne.s32 s11, $0xE00;
	[tilespmem:s9+$0xA010] =	vst v7;
	v5 =	vadd.s32 v0, v5;
	v7 =	vld [tilespmem:s9+$0xA070]  }
0x42: {  	v8 =	vld [tilespmem:s13+$0xA000];
	[tilespmem:s9+$0xA020] =	vst v5;
	v3 =	vadd.s32 v0, v3  }
0x43: {  	v9 =	vld [tilespmem:s13+$0xA010];
	[tilespmem:s9+$0xA030] =	vst v3;
	v2 =	vadd.s32 v0, v2  }
.Ltmp0:
0x44: {  	v5 =	vld [tilespmem:s13+$0xA020];
	[tilespmem:s9+$0xA040] =	vst v2;
	v2 =	vadd.s32 v0, v4;
	(pc) =	sbr.rel @p0 .LBB2_2-.Ltmp0, $4  }
0x45: {  	v3 =	vld [tilespmem:s13+$0xA030];
	[tilespmem:s9+$0xA050] =	vst v2;
	v4 =	vadd.s32 v0, v6  }
0x46: {  	v2 =	vld [tilespmem:s13+$0xA040];
	[tilespmem:s9+$0xA060] =	vst v4;
	v6 =	vadd.s32 v0, v7  }
0x47: {  	v7 =	vadd.s32 v0, v8;
	v4 =	vld [tilespmem:s13+$0xA050];
	[tilespmem:s9+$0xA070] =	vst v6;
	s9 =	smov.u32 s13  }
0x48: {  	s11 =	sadd.s32 $0x200, s11;
	[tilespmem:s9+$0xA000] =	vst v7;
	v7 =	vadd.s32 v0, v9;
	v6 =	vld [tilespmem:s9+$0xA060]  }
0x49: {  	[tilespmem:s9+$0xA010] =	vst v7;
	v5 =	vadd.s32 v0, v5;
	v63 =	vld [tilespmem:s9+$0xA070]  }
0x4a: {  	[tilespmem:s9+$0xA020] =	vst v5;
	v3 =	vadd.s32 v0, v3  }
0x4b: {  	[tilespmem:s9+$0xA030] =	vst v3;
	v2 =	vadd.s32 v0, v2  }
0x4c: {  	[tilespmem:s9+$0xA040] =	vst v2;
	v2 =	vadd.s32 v0, v4  }
0x4d: {  	[tilespmem:s9+$0xA050] =	vst v2;
	v2 =	vadd.s32 v0, v6  }
0x4e: {  	[tilespmem:s9+$0xA060] =	vst v2;
	v2 =	vadd.s32 v0, v63  }
0x4f: {  	s11 =	simm.s32 $0x200;
	[tilespmem:s9+$0xA070] =	vst v2;
	s9 =	simm.s32 $0x0  }
.LBB2_4:
0x50: {  	p0 =	sne.s32 s11, $0x3E00;
	[tilespmem:s9+$0x1C470] =	vst v1  }
0x51: {  	[tilespmem:s9+$0x1C400] =	vst v1  }
0x52: {  	[tilespmem:s9+$0x1C410] =	vst v1  }
.Ltmp1:
0x53: {  	[tilespmem:s9+$0x1C420] =	vst v1;
	(pc) =	sbr.rel @p0 .LBB2_4-.Ltmp1, $4  }
0x54: {  	[tilespmem:s9+$0x1C430] =	vst v1  }
0x55: {  	[tilespmem:s9+$0x1C440] =	vst v1  }
0x56: {  	[tilespmem:s9+$0x1C450] =	vst v1  }
0x57: {  	[tilespmem:s9+$0x1C460] =	vst v1;
	s9 =	sshra.s32 s11, $0x2;
	s11 =	sadd.s32 $0x200, s11  }
0x58: {  	[tilespmem:s9+$0x1C470] =	vst v1  }
0x59: {  	[tilespmem:s9+$0x1C400] =	vst v1  }
0x5a: {  	[tilespmem:s9+$0x1C410] =	vst v1  }
0x5b: {  	[tilespmem:s9+$0x1C420] =	vst v1  }
0x5c: {  	[tilespmem:s9+$0x1C430] =	vst v1  }
0x5d: {  	[tilespmem:s9+$0x1C440] =	vst v1  }
0x5e: {  	[tilespmem:s9+$0x1C450] =	vst v1  }
0x5f: {  	[tilespmem:s9+$0x1C460] =	vst v1;
	s19 =	simm.s32 $0x0  }
0x60: {  	[tilespmem:s25], [sflag:$0x1] =	stream.indirect.gather [hbm4b:s1+s18], $0x80, s19, s18, $0xb8;
	[tilespmem:$0x1D400] =	vst v63  }
0x61: {  	_ = 	snop  }
0x62: {  	[tilespmem:s26], [sflag:$0x1] =	stream.indirect.gather [hbm4b:s2+s18], $0x80, s14, s18, $0xb8;
	[tilespmem:$0x1D400] =	vst v63  }
0x63: {  	_ = 	snop  }
0x64: {  	[tilespmem:s28], [sflag:$0x1] =	stream.indirect.gather [hbm4b:s3+s18], $0x80, s21, s18, $0xb8;
	[tilespmem:$0x1D400] =	vst v63  }
0x65: {  	_ = 	snop  }
0x66: {  	[tilespmem:s29], [sflag:$0x1] =	stream.indirect.gather [hbm4b:s5+s18], $0x80, s22, s18, $0xb8;
	[tilespmem:$0x1D400] =	vst v63  }
0x67: {  	_ = 	snop  }
0x68: {  	[spmem:s12] =	stream.linear.scatter [tilespmem:s30], [sflag:$0x4], $0x1000, $0x38;
	[tilespmem:$0x1D400] =	vst v63  }
0x69: {  	_ =	swait.ge [sflag:s31], $0x1000  }
0x6a: {  	[sflag:s31] =	ssyncset.done $0x0  }
0x6b: {  	[sflag:s31] =	ssyncadd.s32 $0xFFFFF000  }
0x6c: {  	_ =	swait.ge [sflag:s4], $0x4000  }
0x6d: {  	[sflag:s4] =	ssyncset.done $0x0  }
0x6e: {  	[sflag:s4] =	ssyncadd.s32 $0xFFFFC000  }
0x6f: {  	_ =	swait.ge [sflag:s4], $0x4000  }
0x70: {  	[sflag:s4] =	ssyncset.done $0x0  }
0x71: {  	[sflag:s4] =	ssyncadd.s32 $0xFFFFC000  }
0x72: {  	_ =	swait.ge [sflag:s4], $0x4000  }
0x73: {  	[sflag:s4] =	ssyncset.done $0x0  }
0x74: {  	[sflag:s4] =	ssyncadd.s32 $0xFFFFC000  }
0x75: {  	_ =	swait.ge [sflag:s4], $0x4000  }
0x76: {  	[sflag:s4] =	ssyncset.done $0x0  }
0x77: {  	[sflag:s4] =	ssyncadd.s32 $0xFFFFC000  }
0x78: {  	[spmem:s6] =	stream.indirect.scatter.add.f32 [tilespmem:s25], [sflag:$0x2], $0x80, s24, s18, $0xb8;
	[tilespmem:$0x1D400] =	vst v63  }
0x79: {  	s22 =	rddreg [dreg:$0x8]  }
0x7a: {  	[spmem:s6] =	stream.indirect.scatter.add.f32 [tilespmem:s26], [sflag:$0x2], $0x80, s22, s18, $0xb8;
	[tilespmem:$0x1D400] =	vst v63  }
0x7b: {  	s11 =	rddreg [dreg:$0x9]  }
0x7c: {  	[spmem:s6] =	stream.indirect.scatter.add.f32 [tilespmem:s28], [sflag:$0x2], $0x80, s11, s18, $0xb8;
	[tilespmem:$0x1D400] =	vst v63  }
0x7d: {  	s23 =	rddreg [dreg:$0xa]  }
0x7e: {  	[spmem:s6] =	stream.indirect.scatter.add.f32 [tilespmem:s29], [sflag:$0x2], $0x80, s23, s18, $0xb8;
	[tilespmem:$0x1D400] =	vst v63  }
0x7f: {  	_ =	swait.ge [sflag:s0], $0x4000  }
0x80: {  	[sflag:s0] =	ssyncset.done $0x0  }
0x81: {  	[sflag:s0] =	ssyncadd.s32 $0xFFFFC000  }
0x82: {  	_ =	swait.ge [sflag:s0], $0x4000  }
0x83: {  	[sflag:s0] =	ssyncset.done $0x0  }
0x84: {  	[sflag:s0] =	ssyncadd.s32 $0xFFFFC000  }
0x85: {  	_ =	swait.ge [sflag:s0], $0x4000  }
0x86: {  	[sflag:s0] =	ssyncset.done $0x0  }
0x87: {  	[sflag:s0] =	ssyncadd.s32 $0xFFFFC000  }
0x88: {  	_ =	swait.ge [sflag:s0], $0x4000  }
0x89: {  	[sflag:s0] =	ssyncset.done $0x0  }
0x8a: {  	s10 =	simm.s32 $0x80;
	[sflag:s0] =	ssyncadd.s32 $0xFFFFC000  }
0x8b: {  	[tilespmem:s25], [sflag:$0x1] =	stream.indirect.gather [hbm4b:s1+s18], $0x80, s10, s18, $0xb8;
	[tilespmem:$0x1D400] =	vst v63  }
0x8c: {  	s11 =	simm.s32 $0x2880  }
0x8d: {  	[tilespmem:s26], [sflag:$0x1] =	stream.indirect.gather [hbm4b:s2+s18], $0x80, s11, s18, $0xb8;
	[tilespmem:$0x1D400] =	vst v63  }
0x8e: {  	s13 =	simm.s32 $0x5080;
	s10 =	rddreg [dreg:$0x16]  }
0x8f: {  	[tilespmem:s28], [sflag:$0x1] =	stream.indirect.gather [hbm4b:s3+s18], $0x80, s13, s18, $0xb8;
	[tilespmem:$0x1D400] =	vst v63  }
0x90: {  	s14 =	simm.s32 $0x7880;
	s11 =	sor.u32 $0x1C06, s10;
	s13 =	sshrl.u32 s12, $0x3  }
0x91: {  	[tilespmem:s29], [sflag:$0x1] =	stream.indirect.gather [hbm4b:s5+s18], $0x80, s14, s18, $0xb8;
	[tilespmem:$0x1D400] =	vst v63  }
0x92: {  	[hbm:s16], [sflag:s11] =	dma.local [spmem:s13], $0x80  }
0x93: {  	_ =	swait.ge [sflag:s20], $0x80  }
0x94: {  	[sflag:s20] =	ssyncset.done $0x0  }
0x95: {  	s19 =	sadd.s32 $0x50000, s16;
	s17 =	rddreg [dreg:$0xb];
	[sflag:s20] =	ssyncadd.s32 $0xFFFFFF80  }
0x96: {  	[hbm:s19], [sflag:s11] =	dma.local [spmem:s17], $0x80  }
0x97: {  	_ =	swait.ge [sflag:s20], $0x80  }
0x98: {  	[sflag:s20] =	ssyncset.done $0x0  }
0x99: {  	s22 =	sadd.s32 $0xA0000, s16;
	s21 =	rddreg [dreg:$0xc];
	[sflag:s20] =	ssyncadd.s32 $0xFFFFFF80  }
0x9a: {  	[hbm:s22], [sflag:s11] =	dma.local [spmem:s21], $0x80  }
0x9b: {  	_ =	swait.ge [sflag:s20], $0x80  }
0x9c: {  	[sflag:s20] =	ssyncset.done $0x0  }
0x9d: {  	s10 =	sadd.s32 $0xF0000, s16;
	s23 =	rddreg [dreg:$0xd];
	[sflag:s20] =	ssyncadd.s32 $0xFFFFFF80  }
0x9e: {  	[hbm:s10], [sflag:s11] =	dma.local [spmem:s23], $0x80  }
0x9f: {  	_ =	swait.ge [sflag:s20], $0x80  }
0xa0: {  	[sflag:s20] =	ssyncset.done $0x0  }
0xa1: {  	[sflag:s20] =	ssyncadd.s32 $0xFFFFFF80  }
0xa2: {  	[spmem:s15] =	stream.linear.scatter [tilespmem:s30], [sflag:$0x5], $0x1000, $0x38;
	[tilespmem:$0x1D400] =	vst v63  }
0xa3: {  	_ =	swait.ge [sflag:s7], $0x1000  }
0xa4: {  	[sflag:s7] =	ssyncset.done $0x0  }
0xa5: {  	[sflag:s7] =	ssyncadd.s32 $0xFFFFF000  }
0xa6: {  	_ =	swait.ge [sflag:s4], $0x4000  }
0xa7: {  	[sflag:s4] =	ssyncset.done $0x0  }
0xa8: {  	[sflag:s4] =	ssyncadd.s32 $0xFFFFC000  }
0xa9: {  	_ =	swait.ge [sflag:s4], $0x4000  }
0xaa: {  	[sflag:s4] =	ssyncset.done $0x0  }
0xab: {  	[sflag:s4] =	ssyncadd.s32 $0xFFFFC000  }
0xac: {  	_ =	swait.ge [sflag:s4], $0x4000  }
0xad: {  	[sflag:s4] =	ssyncset.done $0x0  }
0xae: {  	[sflag:s4] =	ssyncadd.s32 $0xFFFFC000  }
0xaf: {  	_ =	swait.ge [sflag:s4], $0x4000  }
0xb0: {  	[sflag:s4] =	ssyncset.done $0x0  }
0xb1: {  	s14 =	rddreg [dreg:$0xe];
	[sflag:s4] =	ssyncadd.s32 $0xFFFFC000  }
0xb2: {  	[spmem:s6] =	stream.indirect.scatter.add.f32 [tilespmem:s25], [sflag:$0x3], $0x80, s14, s18, $0xb8;
	[tilespmem:$0x1D400] =	vst v63  }
0xb3: {  	s17 =	rddreg [dreg:$0xf]  }
0xb4: {  	[spmem:s6] =	stream.indirect.scatter.add.f32 [tilespmem:s26], [sflag:$0x3], $0x80, s17, s18, $0xb8;
	[tilespmem:$0x1D400] =	vst v63  }
0xb5: {  	s19 =	rddreg [dreg:$0x10]  }
0xb6: {  	[spmem:s6] =	stream.indirect.scatter.add.f32 [tilespmem:s28], [sflag:$0x3], $0x80, s19, s18, $0xb8;
	[tilespmem:$0x1D400] =	vst v63  }
0xb7: {  	s21 =	rddreg [dreg:$0x11]  }
0xb8: {  	[spmem:s6] =	stream.indirect.scatter.add.f32 [tilespmem:s29], [sflag:$0x3], $0x80, s21, s18, $0xb8;
	[tilespmem:$0x1D400] =	vst v63  }
0xb9: {  	_ =	swait.ge [sflag:s8], $0x4000  }
0xba: {  	[sflag:s8] =	ssyncset.done $0x0  }
0xbb: {  	[sflag:s8] =	ssyncadd.s32 $0xFFFFC000  }
0xbc: {  	_ =	swait.ge [sflag:s8], $0x4000  }
0xbd: {  	[sflag:s8] =	ssyncset.done $0x0  }
0xbe: {  	[sflag:s8] =	ssyncadd.s32 $0xFFFFC000  }
0xbf: {  	_ =	swait.ge [sflag:s8], $0x4000  }
0xc0: {  	[sflag:s8] =	ssyncset.done $0x0  }
0xc1: {  	[sflag:s8] =	ssyncadd.s32 $0xFFFFC000  }
0xc2: {  	p0 =	por $0x0, $0x0;
	_ =	swait.ge [sflag:s8], $0x4000  }
0xc3: {  	s9 =	simm.s32 @!p0 $0xA400;
	[sflag:s8] =	ssyncset.done $0x0  }
0xc4: {  	s14 =	simm.s32 @!p0 $0x100;
	s17 =	simm.s32 @!p0 $0x80;
	[sflag:s8] =	ssyncadd.s32 $0xFFFFC000  }
0xc5: {  	[tilespmem:s9], [sflag:$0x1] =	stream.indirect.gather @!p0 [hbm4b:s1+s17], $0x80, s14, s17, $0xb8;
	[tilespmem:$0x1D400] =	vst v63  }
0xc6: {  	s9 =	simm.s32 @!p0 $0x2900;
	s14 =	simm.s32 @!p0 $0xE400  }
0xc7: {  	[tilespmem:s14], [sflag:$0x1] =	stream.indirect.gather @!p0 [hbm4b:s2+s17], $0x80, s9, s17, $0xb8;
	[tilespmem:$0x1D400] =	vst v63  }
0xc8: {  	s9 =	simm.s32 @!p0 $0x5100;
	s14 =	simm.s32 @!p0 $0x12400  }
0xc9: {  	[tilespmem:s14], [sflag:$0x1] =	stream.indirect.gather @!p0 [hbm4b:s3+s17], $0x80, s9, s17, $0xb8;
	[tilespmem:$0x1D400] =	vst v63  }
0xca: {  	s9 =	simm.s32 @!p0 $0x7900;
	s14 =	simm.s32 @!p0 $0x16400  }
0xcb: {  	[tilespmem:s14], [sflag:$0x1] =	stream.indirect.gather @!p0 [hbm4b:s5+s17], $0x80, s9, s17, $0xb8;
	[tilespmem:$0x1D400] =	vst v63  }
0xcc: {  	s22 =	sadd.s32 $0x80, s16;
	s14 =	sshrl.u32 s15, $0x3  }
0xcd: {  	[hbm:s22], [sflag:s11] =	dma.local [spmem:s14], $0x80  }
0xce: {  	_ =	swait.ge [sflag:s20], $0x80  }
0xcf: {  	[sflag:s20] =	ssyncset.done $0x0  }
0xd0: {  	s10 =	sadd.s32 $0x50080, s16;
	s23 =	rddreg [dreg:$0x12];
	[sflag:s20] =	ssyncadd.s32 $0xFFFFFF80  }
0xd1: {  	[hbm:s10], [sflag:s11] =	dma.local [spmem:s23], $0x80  }
0xd2: {  	_ =	swait.ge [sflag:s20], $0x80  }
0xd3: {  	[sflag:s20] =	ssyncset.done $0x0  }
0xd4: {  	s21 =	sadd.s32 $0xA0080, s16;
	s19 =	rddreg [dreg:$0x13];
	[sflag:s20] =	ssyncadd.s32 $0xFFFFFF80  }
0xd5: {  	[hbm:s21], [sflag:s11] =	dma.local [spmem:s19], $0x80  }
0xd6: {  	_ =	swait.ge [sflag:s20], $0x80  }
0xd7: {  	[sflag:s20] =	ssyncset.done $0x0  }
0xd8: {  	s23 =	sadd.s32 $0xF0080, s16;
	s22 =	rddreg [dreg:$0x14];
	[sflag:s20] =	ssyncadd.s32 $0xFFFFFF80  }
0xd9: {  	[hbm:s23], [sflag:s11] =	dma.local [spmem:s22], $0x80  }
0xda: {  	_ =	swait.ge [sflag:s20], $0x80  }
0xdb: {  	s9 =	simm.s32 $0x400;
	s17 =	smov.u32 s16;
	[sflag:s20] =	ssyncset.done $0x0  }
.LBB2_6:
0xdc: {  	[sflag:s20] =	ssyncadd.s32 $0xFFFFFF80  }
0xdd: {  	[spmem:s12] =	stream.linear.scatter [tilespmem:s30], [sflag:$0x4], $0x1000, $0x38;
	[tilespmem:$0x1D400] =	vst v63  }
0xde: {  	_ =	swait.ge [sflag:s31], $0x1000  }
0xdf: {  	[sflag:s31] =	ssyncset.done $0x0  }
0xe0: {  	[sflag:s31] =	ssyncadd.s32 $0xFFFFF000  }
0xe1: {  	_ =	swait.ge [sflag:s4], $0x4000  }
0xe2: {  	[sflag:s4] =	ssyncset.done $0x0  }
0xe3: {  	[sflag:s4] =	ssyncadd.s32 $0xFFFFC000  }
0xe4: {  	_ =	swait.ge [sflag:s4], $0x4000  }
0xe5: {  	[sflag:s4] =	ssyncset.done $0x0  }
0xe6: {  	[sflag:s4] =	ssyncadd.s32 $0xFFFFC000  }
0xe7: {  	_ =	swait.ge [sflag:s4], $0x4000  }
0xe8: {  	[sflag:s4] =	ssyncset.done $0x0  }
0xe9: {  	[sflag:s4] =	ssyncadd.s32 $0xFFFFC000  }
0xea: {  	_ =	swait.ge [sflag:s4], $0x4000  }
0xeb: {  	[sflag:s4] =	ssyncset.done $0x0  }
0xec: {  	[sflag:s4] =	ssyncadd.s32 $0xFFFFC000  }
0xed: {  	[spmem:s6] =	stream.indirect.scatter.add.f32 [tilespmem:s25], [sflag:$0x2], $0x80, s24, s18, $0xb8;
	[tilespmem:$0x1D400] =	vst v63  }
0xee: {  	s22 =	rddreg [dreg:$0x8]  }
0xef: {  	[spmem:s6] =	stream.indirect.scatter.add.f32 [tilespmem:s26], [sflag:$0x2], $0x80, s22, s18, $0xb8;
	[tilespmem:$0x1D400] =	vst v63  }
0xf0: {  	s23 =	rddreg [dreg:$0x9]  }
0xf1: {  	[spmem:s6] =	stream.indirect.scatter.add.f32 [tilespmem:s28], [sflag:$0x2], $0x80, s23, s18, $0xb8;
	[tilespmem:$0x1D400] =	vst v63  }
0xf2: {  	s10 =	rddreg [dreg:$0xa]  }
0xf3: {  	[spmem:s6] =	stream.indirect.scatter.add.f32 [tilespmem:s29], [sflag:$0x2], $0x80, s10, s18, $0xb8;
	[tilespmem:$0x1D400] =	vst v63  }
0xf4: {  	_ =	swait.ge [sflag:s0], $0x4000  }
0xf5: {  	[sflag:s0] =	ssyncset.done $0x0  }
0xf6: {  	[sflag:s0] =	ssyncadd.s32 $0xFFFFC000  }
0xf7: {  	_ =	swait.ge [sflag:s0], $0x4000  }
0xf8: {  	[sflag:s0] =	ssyncset.done $0x0  }
0xf9: {  	[sflag:s0] =	ssyncadd.s32 $0xFFFFC000  }
0xfa: {  	_ =	swait.ge [sflag:s0], $0x4000  }
0xfb: {  	[sflag:s0] =	ssyncset.done $0x0  }
0xfc: {  	[sflag:s0] =	ssyncadd.s32 $0xFFFFC000  }
0xfd: {  	s21 =	smov.u32 s9;
	_ =	swait.ge [sflag:s0], $0x4000  }
0xfe: {  	s22 =	sshra.s32 s21, $0x2;
	[sflag:s0] =	ssyncset.done $0x0  }
0xff: {  	s19 =	sadd.s32 $0x80, s22;
	[sflag:s0] =	ssyncadd.s32 $0xFFFFC000  }
0x100: {  	[tilespmem:s25], [sflag:$0x1] =	stream.indirect.gather [hbm4b:s1+s18], $0x80, s19, s18, $0xb8;
	[tilespmem:$0x1D400] =	vst v63  }
0x101: {  	s10 =	sadd.s32 $0x2880, s22  }
0x102: {  	[tilespmem:s26], [sflag:$0x1] =	stream.indirect.gather [hbm4b:s2+s18], $0x80, s10, s18, $0xb8;
	[tilespmem:$0x1D400] =	vst v63  }
0x103: {  	s19 =	sadd.s32 $0x5080, s22  }
0x104: {  	[tilespmem:s28], [sflag:$0x1] =	stream.indirect.gather [hbm4b:s3+s18], $0x80, s19, s18, $0xb8;
	[tilespmem:$0x1D400] =	vst v63  }
0x105: {  	s17 =	sadd.s32 $0x100, s17;
	s22 =	sadd.s32 $0x7880, s22  }
0x106: {  	[tilespmem:s29], [sflag:$0x1] =	stream.indirect.gather [hbm4b:s5+s18], $0x80, s22, s18, $0xb8;
	[tilespmem:$0x1D400] =	vst v63  }
0x107: {  	[hbm:s17], [sflag:s11] =	dma.local [spmem:s13], $0x80  }
0x108: {  	_ =	swait.ge [sflag:s20], $0x80  }
0x109: {  	[sflag:s20] =	ssyncset.done $0x0  }
0x10a: {  	s19 =	sadd.s32 $0x50000, s17;
	s10 =	rddreg [dreg:$0xb];
	[sflag:s20] =	ssyncadd.s32 $0xFFFFFF80  }
0x10b: {  	[hbm:s19], [sflag:s11] =	dma.local [spmem:s10], $0x80  }
0x10c: {  	_ =	swait.ge [sflag:s20], $0x80  }
0x10d: {  	[sflag:s20] =	ssyncset.done $0x0  }
0x10e: {  	s19 =	sadd.s32 $0xA0000, s17;
	s10 =	rddreg [dreg:$0xc];
	[sflag:s20] =	ssyncadd.s32 $0xFFFFFF80  }
0x10f: {  	[hbm:s19], [sflag:s11] =	dma.local [spmem:s10], $0x80  }
0x110: {  	_ =	swait.ge [sflag:s20], $0x80  }
0x111: {  	[sflag:s20] =	ssyncset.done $0x0  }
0x112: {  	s19 =	sadd.s32 $0xF0000, s17;
	s10 =	rddreg [dreg:$0xd];
	[sflag:s20] =	ssyncadd.s32 $0xFFFFFF80  }
0x113: {  	[hbm:s19], [sflag:s11] =	dma.local [spmem:s10], $0x80  }
0x114: {  	_ =	swait.ge [sflag:s20], $0x80  }
0x115: {  	[sflag:s20] =	ssyncset.done $0x0  }
0x116: {  	[sflag:s20] =	ssyncadd.s32 $0xFFFFFF80  }
0x117: {  	[spmem:s15] =	stream.linear.scatter [tilespmem:s30], [sflag:$0x5], $0x1000, $0x38;
	[tilespmem:$0x1D400] =	vst v63  }
0x118: {  	_ =	swait.ge [sflag:s7], $0x1000  }
0x119: {  	[sflag:s7] =	ssyncset.done $0x0  }
0x11a: {  	[sflag:s7] =	ssyncadd.s32 $0xFFFFF000  }
0x11b: {  	_ =	swait.ge [sflag:s4], $0x4000  }
0x11c: {  	[sflag:s4] =	ssyncset.done $0x0  }
0x11d: {  	[sflag:s4] =	ssyncadd.s32 $0xFFFFC000  }
0x11e: {  	_ =	swait.ge [sflag:s4], $0x4000  }
0x11f: {  	[sflag:s4] =	ssyncset.done $0x0  }
0x120: {  	[sflag:s4] =	ssyncadd.s32 $0xFFFFC000  }
0x121: {  	_ =	swait.ge [sflag:s4], $0x4000  }
0x122: {  	[sflag:s4] =	ssyncset.done $0x0  }
0x123: {  	[sflag:s4] =	ssyncadd.s32 $0xFFFFC000  }
0x124: {  	_ =	swait.ge [sflag:s4], $0x4000  }
0x125: {  	[sflag:s4] =	ssyncset.done $0x0  }
0x126: {  	s10 =	rddreg [dreg:$0xe];
	[sflag:s4] =	ssyncadd.s32 $0xFFFFC000  }
0x127: {  	[spmem:s6] =	stream.indirect.scatter.add.f32 [tilespmem:s25], [sflag:$0x3], $0x80, s10, s18, $0xb8;
	[tilespmem:$0x1D400] =	vst v63  }
0x128: {  	s19 =	rddreg [dreg:$0xf]  }
0x129: {  	[spmem:s6] =	stream.indirect.scatter.add.f32 [tilespmem:s26], [sflag:$0x3], $0x80, s19, s18, $0xb8;
	[tilespmem:$0x1D400] =	vst v63  }
0x12a: {  	s10 =	rddreg [dreg:$0x10]  }
0x12b: {  	[spmem:s6] =	stream.indirect.scatter.add.f32 [tilespmem:s28], [sflag:$0x3], $0x80, s10, s18, $0xb8;
	[tilespmem:$0x1D400] =	vst v63  }
0x12c: {  	s19 =	rddreg [dreg:$0x11]  }
0x12d: {  	[spmem:s6] =	stream.indirect.scatter.add.f32 [tilespmem:s29], [sflag:$0x3], $0x80, s19, s18, $0xb8;
	[tilespmem:$0x1D400] =	vst v63  }
0x12e: {  	_ =	swait.ge [sflag:s8], $0x4000  }
0x12f: {  	[sflag:s8] =	ssyncset.done $0x0  }
0x130: {  	[sflag:s8] =	ssyncadd.s32 $0xFFFFC000  }
0x131: {  	_ =	swait.ge [sflag:s8], $0x4000  }
0x132: {  	[sflag:s8] =	ssyncset.done $0x0  }
0x133: {  	[sflag:s8] =	ssyncadd.s32 $0xFFFFC000  }
0x134: {  	_ =	swait.ge [sflag:s8], $0x4000  }
0x135: {  	[sflag:s8] =	ssyncset.done $0x0  }
0x136: {  	p1 =	seq.s32 s21, $0x9C00;
	[sflag:s8] =	ssyncadd.s32 $0xFFFFC000  }
0x137: {  	s21 =	sshra.s32 @!p1 s21, $0x2;
	_ =	swait.ge [sflag:s8], $0x4000  }
0x138: {  	s23 =	sadd.s32 @!p1 $0x100, s21;
	[sflag:s8] =	ssyncset.done $0x0  }
0x139: {  	s22 =	simm.s32 @!p1 $0xA400;
	s19 =	simm.s32 @!p1 $0x80;
	[sflag:s8] =	ssyncadd.s32 $0xFFFFC000  }
0x13a: {  	[tilespmem:s22], [sflag:$0x1] =	stream.indirect.gather @!p1 [hbm4b:s1+s19], $0x80, s23, s19, $0xb8;
	[tilespmem:$0x1D400] =	vst v63  }
0x13b: {  	s22 =	sadd.s32 @!p1 $0x2900, s21;
	s23 =	simm.s32 @!p1 $0xE400  }
0x13c: {  	[tilespmem:s23], [sflag:$0x1] =	stream.indirect.gather @!p1 [hbm4b:s2+s19], $0x80, s22, s19, $0xb8;
	[tilespmem:$0x1D400] =	vst v63  }
0x13d: {  	s10 =	sadd.s32 @!p1 $0x5100, s21;
	s22 =	simm.s32 @!p1 $0x12400  }
0x13e: {  	[tilespmem:s22], [sflag:$0x1] =	stream.indirect.gather @!p1 [hbm4b:s3+s19], $0x80, s10, s19, $0xb8;
	[tilespmem:$0x1D400] =	vst v63  }
0x13f: {  	s21 =	sadd.s32 @!p1 $0x7900, s21;
	s23 =	sadd.s32 $0x80, s17;
	s10 =	simm.s32 @!p1 $0x16400  }
0x140: {  	[tilespmem:s10], [sflag:$0x1] =	stream.indirect.gather @!p1 [hbm4b:s5+s19], $0x80, s21, s19, $0xb8;
	[tilespmem:$0x1D400] =	vst v63  }
0x141: {  	[hbm:s23], [sflag:s11] =	dma.local [spmem:s14], $0x80  }
0x142: {  	_ =	swait.ge [sflag:s20], $0x80  }
0x143: {  	[sflag:s20] =	ssyncset.done $0x0  }
0x144: {  	s23 =	sadd.s32 $0x50080, s17;
	s22 =	rddreg [dreg:$0x12];
	[sflag:s20] =	ssyncadd.s32 $0xFFFFFF80  }
0x145: {  	[hbm:s23], [sflag:s11] =	dma.local [spmem:s22], $0x80  }
0x146: {  	_ =	swait.ge [sflag:s20], $0x80  }
0x147: {  	s9 =	sadd.s32 $0x400, s9;
	[sflag:s20] =	ssyncset.done $0x0  }
0x148: {  	s21 =	sadd.s32 $0xA0080, s17;
	s19 =	rddreg [dreg:$0x13];
	[sflag:s20] =	ssyncadd.s32 $0xFFFFFF80  }
0x149: {  	[hbm:s21], [sflag:s11] =	dma.local [spmem:s19], $0x80  }
0x14a: {  	p0 =	sne.s32 s9, $0xA000;
	_ =	swait.ge [sflag:s20], $0x80  }
.Ltmp2:
0x14b: {  	[sflag:s20] =	ssyncset.done $0x0;
	(pc) =	sbr.rel @p0 .LBB2_6-.Ltmp2, $4  }
0x14c: {  	s23 =	sadd.s32 $0xF0080, s17;
	s22 =	rddreg [dreg:$0x14];
	[sflag:s20] =	ssyncadd.s32 $0xFFFFFF80  }
0x14d: {  	[hbm:s23], [sflag:s11] =	dma.local [spmem:s22], $0x80  }
0x14e: {  	_ =	swait.ge [sflag:s20], $0x80  }
0x14f: {  	[sflag:s20] =	ssyncset.done $0x0  }
0x150: {  	s10 =	rddreg [dreg:$0x1c]  }
0x151: {  	s9 =	rddreg [dreg:$0x1b];
	s10 =	sadd.s32 $0x1, s10  }
0x152: {  	p0 =	sne.s32 s10, s9  }
.Ltmp3:
0x153: {  	_ = 	snop;
	(pc) =	sbr.rel @p0 .LBB2_1-.Ltmp3, $3  }
0x154: {  	_ =	sdelay $0x1  }
0x155: {  	[sflag:s20] =	ssyncadd.s32 $0xFFFFFF80  }
0x156: {  	s14 =	simm.s32 $0x2800;
	s21 =	simm.s32 $0x5000;
	s22 =	simm.s32 $0x7800  }
0x157: {  	_ =	sfence.sel $0x180000  }
0x158: {  	[bflag:$0x0] =	sbarrier.arrive $0xFFFF  }
0x159: {  	_ =	strace $0x90000047  }
0x15a: {  	s0 =	stileid.u32;
	[bflag:$0x2] =	sbarrier.arrive $0xFFFF  }
0x15b: {  	p0 =	sne.s32 s0, $0x0;
	s0 =	rddreg [dreg:$0x7]  }
0x15c: {  	s0 =	sadd.s32 @!p0 $0x100000, s0  }
0x15d: {  	[sflag:s0] =	ssyncadd.tile.s32 @!p0 $0x1;
	_ =	shalt  }
.Lfunc_end2:
_tile_overlayer_lowered:
.L_overlay_start_2:
0x15e: {  	(tag) =	ssettag $0x2  }
0x15f: {  	s0 =	rddreg [dreg:$0x0];
	s2 =	stileid.u32  }
0x160: {  	s1 =	rddreg [dreg:$0x1];
	p0 =	sne.s32 s2, $0x0  }
0x161: {  	s3 =	rddreg [dreg:$0x2];
	[bflag:$0x3] =	sbarrier.arrive $0xFFFF;
	s2 =	simm.s32 @!p0 $0x1C06  }
0x162: {  	[timem:s3], [sflag:s2] =	dma.local @!p0 [hbm:s0], s1  }
0x163: {  	s0 =	simm.s32 @!p0 $0x6  }
0x164: {  	_ =	swait.ge @!p0 [sflag:s0], s1  }
0x165: {  	s1 =	ssub.s32 @!p0 $0x0, s1;
	[sflag:s0] =	ssyncset.done @!p0 $0x0  }
0x166: {  	[sflag:s0] =	ssyncadd.s32 @!p0 s1  }
0x167: {  	[bflag:$0x3] =	sbarrier.arrive $0xFFFF  }
0x168: {  	_ =	shalt  }

</sc_bundles>
